<compile_context>
chip_gen: v7x
topology: tpu7x:2x2x1
jax: 0.10.2.dev20260603
libtpu: 0.0.44.dev20260713+nightly
codegen_flags: <defaults>
</compile_context>

<pallas_src>
import functools

import jax
import jax.numpy as jnp
from jax import lax
from jax.experimental import pallas as pl
from jax.experimental.pallas import tpu as pltpu
from jax.experimental.pallas import tpu_sc as plsc

_L = 16


def _build_sc_call(R, C, K, NC, NS):
    NW = NC * NS
    rows_per_w = R // NW
    CH = 64
    NBUF = 2
    n_chunks = rows_per_w // CH
    n_groups = K // _L

    mesh = plsc.VectorSubcoreMesh(core_axis_name="c", subcore_axis_name="s")

    @functools.partial(
        pl.kernel,
        mesh=mesh,
        out_type=jax.ShapeDtypeStruct((R * K,), jnp.float32),
        scratch_types=[
            pltpu.VMEM((K,), jnp.int32),
            *[pltpu.VMEM((CH * C,), jnp.float32) for _ in range(NBUF)],
            *[pltpu.VMEM((CH * K,), jnp.float32) for _ in range(NBUF)],
            pltpu.SemaphoreType.DMA,
            pltpu.SemaphoreType.DMA,
        ],
        compiler_params=pltpu.CompilerParams(needs_layout_passes=False),
    )
    def sc_gather(x_hbm, idx_hbm, out_hbm, idx_v, *rest):
        xb = rest[:NBUF]
        ob = rest[NBUF:2 * NBUF]
        sem_in, sem_out = rest[2 * NBUF], rest[2 * NBUF + 1]
        cid = lax.axis_index("c")
        sid = lax.axis_index("s")
        wid = sid * NC + cid
        base = wid * rows_per_w

        pltpu.sync_copy(idx_hbm, idx_v)
        idx_vecs = []
        for g in range(n_groups):
            j = idx_v[pl.ds(g * _L, _L)]
            idx_vecs.append((j >> 7) * 1024 + (j & 127))

        def in_cp(i, b):
            r0 = base + i * CH
            return pltpu.make_async_copy(
                x_hbm.at[pl.ds(r0 * C, CH * C)], xb[b], sem_in)

        def out_cp(i, b):
            r0 = base + i * CH
            return pltpu.make_async_copy(
                ob[b], out_hbm.at[pl.ds(r0 * K, CH * K)], sem_out)

        def compute(x_v, out_v):
            @plsc.parallel_loop(0, CH, unroll=2)
            def row_body(r):
                roff = (r >> 3) * (8 * C) + (r & 7) * 128
                rowvec = jnp.full((_L,), roff, jnp.int32)
                outoff = r * K
                for g in range(n_groups):
                    v = plsc.load_gather(x_v, [rowvec + idx_vecs[g]])
                    out_v[pl.ds(outoff + g * _L, _L)] = v

        for j in range(NBUF - 1):
            in_cp(j, j).start()

        def ring_body(i0, carry):
            for b in range(NBUF):
                i = i0 * NBUF + b

                @pl.when(i + NBUF - 1 < n_chunks)
                def _start_next():
                    in_cp(i + NBUF - 1, (b + NBUF - 1) % NBUF).start()

                in_cp(i, b).wait()

                @pl.when(i >= NBUF)
                def _free_out():
                    out_cp(i - NBUF, b).wait()

                compute(xb[b], ob[b])
                out_cp(i, b).start()
            return carry

        lax.fori_loop(0, n_chunks // NBUF, ring_body, 0)
        for b in range(NBUF):
            out_cp(n_chunks - NBUF + b, b).wait()

    return sc_gather


def kernel(X, feature_indices):
    R, C = X.shape
    K = feature_indices.shape[0]
    info = plsc.get_sparse_core_info()
    NC, NS = info.num_cores, info.num_subcores
    call = _build_sc_call(R, C, K, NC, NS)
    x_tiles = X.reshape(R // 8, 8, C // 128, 128).transpose(0, 2, 1, 3)
    out_flat = call(x_tiles.reshape(-1), feature_indices.astype(jnp.int32))
    return out_flat.reshape(R, K)

# --- scband reference (transcript-rebuilt; emitter-appended) ---
"""Pipeline reference for scband-filter-features-77094662963254 (READ-ONLY COPY).

The authoritative reference and input builder live on the scoring server;
editing this copy changes nothing except your own understanding.
"""

import jax, jax.numpy as jnp
import numpy as np

FEATURE_INDICES = jnp.arange(0, 512, 4, dtype=jnp.int64)  # 128 unique indices < 512

def setup_inputs(seed: int = 0) -> dict:
    key = jax.random.key(seed)
    X = jax.random.normal(key, (16384, 512), dtype=jnp.float32)
    return {"X": X, "feature_indices": FEATURE_INDICES}

def reference(X, feature_indices):
    # FilterFeatures.transform: X[..., feature_indices]
    return jnp.take(X, feature_indices, axis=-1)

if __name__ == "__main__":
    import jax
    _d = setup_inputs()
    print(jax.jit(kernel)(*tuple(_d.values())))

</pallas_src>

<mosaic_0001>
#map = affine_map<(d0, d1) -> (0)>
module attributes {stable_mosaic.version = 14 : i64} {
  func.func @sc_gather(%arg0: i32, %arg1: i32, %arg2: memref<8388608xf32, #tpu.memory_space<hbm>>, %arg3: memref<128xi32, #tpu.memory_space<hbm>>, %arg4: memref<2097152xf32, #tpu.memory_space<hbm>>, %arg5: memref<128xi32, #tpu.memory_space<vmem>>, %arg6: memref<32768xf32, #tpu.memory_space<vmem>>, %arg7: memref<32768xf32, #tpu.memory_space<vmem>>, %arg8: memref<8192xf32, #tpu.memory_space<vmem>>, %arg9: memref<8192xf32, #tpu.memory_space<vmem>>, %arg10: memref<!tpu.dma_semaphore, #tpu.memory_space<semaphore_mem>>, %arg11: memref<!tpu.dma_semaphore, #tpu.memory_space<semaphore_mem>>) attributes {dimension_semantics = [#tpu.dimension_semantics<core_parallel>, #tpu.dimension_semantics<subcore_parallel>], iteration_bounds = array<i64: 2, 16>, scalar_prefetch = 0 : i64, scratch_operands = 7 : i64, tpu.core_type = #tpu.core_type<sc_vector_subcore>, window_params = [{transform_indices = #map}, {transform_indices = #map}, {transform_indices = #map}]} {
    %mul3A = arith.constant 2 : i32
    %mul3A_0 = arith.muli %arg1, %mul3A : i32
    %add3A = arith.addi %mul3A_0, %arg0 : i32
    %mul3A_1 = arith.constant 512 : i32
    %mul3A_2 = arith.muli %add3A, %mul3A_1 : i32
    "tpu.region"() ({
      %run_scoped3A = tpu.sem_alloc : memref<!tpu.dma_semaphore, #tpu.memory_space<semaphore_mem>>
      tpu.enqueue_dma source(%arg3 : memref<128xi32, #tpu.memory_space<hbm>>) target(%arg5 : memref<128xi32, #tpu.memory_space<vmem>>) target_semaphore(%run_scoped3A : memref<!tpu.dma_semaphore, #tpu.memory_space<semaphore_mem>>)
      tpu.wait_dma2 semaphore(%run_scoped3A : memref<!tpu.dma_semaphore, #tpu.memory_space<semaphore_mem>>) src(%arg3 : memref<128xi32, #tpu.memory_space<hbm>>) dst(%arg5 : memref<128xi32, #tpu.memory_space<vmem>>)
      tpu.yield
    }) : () -> ()
    %get3A = arith.constant 0 : index
    %get3A_3 = tpu.vector_load %arg5[%get3A] {strides = array<i32>} : memref<128xi32, #tpu.memory_space<vmem>>, vector<16xi32>,
    %shift_right_arithmetic3A = arith.constant 7 : i32
    %shift_right_arithmetic3A_4 = vector.broadcast %shift_right_arithmetic3A : i32 to vector<16xi32>
    %shift_right_arithmetic3A_5 = arith.shrsi %get3A_3, %shift_right_arithmetic3A_4 : vector<16xi32>
    %mul3A_6 = arith.constant 1024 : i32
    %mul3A_7 = vector.broadcast %mul3A_6 : i32 to vector<16xi32>
    %mul3A_8 = arith.muli %shift_right_arithmetic3A_5, %mul3A_7 : vector<16xi32>
    %and3A = arith.constant 127 : i32
    %and3A_9 = vector.broadcast %and3A : i32 to vector<16xi32>
    %and3A_10 = arith.andi %get3A_3, %and3A_9 : vector<16xi32>
    %add3A_11 = arith.addi %mul3A_8, %and3A_10 : vector<16xi32>
    %get3A_12 = arith.constant 16 : index
    %get3A_13 = tpu.vector_load %arg5[%get3A_12] {strides = array<i32>} : memref<128xi32, #tpu.memory_space<vmem>>, vector<16xi32>,
    %shift_right_arithmetic3A_14 = arith.constant 7 : i32
    %shift_right_arithmetic3A_15 = vector.broadcast %shift_right_arithmetic3A_14 : i32 to vector<16xi32>
    %shift_right_arithmetic3A_16 = arith.shrsi %get3A_13, %shift_right_arithmetic3A_15 : vector<16xi32>
    %mul3A_17 = arith.constant 1024 : i32
    %mul3A_18 = vector.broadcast %mul3A_17 : i32 to vector<16xi32>
    %mul3A_19 = arith.muli %shift_right_arithmetic3A_16, %mul3A_18 : vector<16xi32>
    %and3A_20 = arith.constant 127 : i32
    %and3A_21 = vector.broadcast %and3A_20 : i32 to vector<16xi32>
    %and3A_22 = arith.andi %get3A_13, %and3A_21 : vector<16xi32>
    %add3A_23 = arith.addi %mul3A_19, %and3A_22 : vector<16xi32>
    %get3A_24 = arith.constant 32 : index
    %get3A_25 = tpu.vector_load %arg5[%get3A_24] {strides = array<i32>} : memref<128xi32, #tpu.memory_space<vmem>>, vector<16xi32>,
    %shift_right_arithmetic3A_26 = arith.constant 7 : i32
    %shift_right_arithmetic3A_27 = vector.broadcast %shift_right_arithmetic3A_26 : i32 to vector<16xi32>
    %shift_right_arithmetic3A_28 = arith.shrsi %get3A_25, %shift_right_arithmetic3A_27 : vector<16xi32>
    %mul3A_29 = arith.constant 1024 : i32
    %mul3A_30 = vector.broadcast %mul3A_29 : i32 to vector<16xi32>
    %mul3A_31 = arith.muli %shift_right_arithmetic3A_28, %mul3A_30 : vector<16xi32>
    %and3A_32 = arith.constant 127 : i32
    %and3A_33 = vector.broadcast %and3A_32 : i32 to vector<16xi32>
    %and3A_34 = arith.andi %get3A_25, %and3A_33 : vector<16xi32>
    %add3A_35 = arith.addi %mul3A_31, %and3A_34 : vector<16xi32>
    %get3A_36 = arith.constant 48 : index
    %get3A_37 = tpu.vector_load %arg5[%get3A_36] {strides = array<i32>} : memref<128xi32, #tpu.memory_space<vmem>>, vector<16xi32>,
    %shift_right_arithmetic3A_38 = arith.constant 7 : i32
    %shift_right_arithmetic3A_39 = vector.broadcast %shift_right_arithmetic3A_38 : i32 to vector<16xi32>
    %shift_right_arithmetic3A_40 = arith.shrsi %get3A_37, %shift_right_arithmetic3A_39 : vector<16xi32>
    %mul3A_41 = arith.constant 1024 : i32
    %mul3A_42 = vector.broadcast %mul3A_41 : i32 to vector<16xi32>
    %mul3A_43 = arith.muli %shift_right_arithmetic3A_40, %mul3A_42 : vector<16xi32>
    %and3A_44 = arith.constant 127 : i32
    %and3A_45 = vector.broadcast %and3A_44 : i32 to vector<16xi32>
    %and3A_46 = arith.andi %get3A_37, %and3A_45 : vector<16xi32>
    %add3A_47 = arith.addi %mul3A_43, %and3A_46 : vector<16xi32>
    %get3A_48 = arith.constant 64 : index
    %get3A_49 = tpu.vector_load %arg5[%get3A_48] {strides = array<i32>} : memref<128xi32, #tpu.memory_space<vmem>>, vector<16xi32>,
    %shift_right_arithmetic3A_50 = arith.constant 7 : i32
    %shift_right_arithmetic3A_51 = vector.broadcast %shift_right_arithmetic3A_50 : i32 to vector<16xi32>
    %shift_right_arithmetic3A_52 = arith.shrsi %get3A_49, %shift_right_arithmetic3A_51 : vector<16xi32>
    %mul3A_53 = arith.constant 1024 : i32
    %mul3A_54 = vector.broadcast %mul3A_53 : i32 to vector<16xi32>
    %mul3A_55 = arith.muli %shift_right_arithmetic3A_52, %mul3A_54 : vector<16xi32>
    %and3A_56 = arith.constant 127 : i32
    %and3A_57 = vector.broadcast %and3A_56 : i32 to vector<16xi32>
    %and3A_58 = arith.andi %get3A_49, %and3A_57 : vector<16xi32>
    %add3A_59 = arith.addi %mul3A_55, %and3A_58 : vector<16xi32>
    %get3A_60 = arith.constant 80 : index
    %get3A_61 = tpu.vector_load %arg5[%get3A_60] {strides = array<i32>} : memref<128xi32, #tpu.memory_space<vmem>>, vector<16xi32>,
    %shift_right_arithmetic3A_62 = arith.constant 7 : i32
    %shift_right_arithmetic3A_63 = vector.broadcast %shift_right_arithmetic3A_62 : i32 to vector<16xi32>
    %shift_right_arithmetic3A_64 = arith.shrsi %get3A_61, %shift_right_arithmetic3A_63 : vector<16xi32>
    %mul3A_65 = arith.constant 1024 : i32
    %mul3A_66 = vector.broadcast %mul3A_65 : i32 to vector<16xi32>
    %mul3A_67 = arith.muli %shift_right_arithmetic3A_64, %mul3A_66 : vector<16xi32>
    %and3A_68 = arith.constant 127 : i32
    %and3A_69 = vector.broadcast %and3A_68 : i32 to vector<16xi32>
    %and3A_70 = arith.andi %get3A_61, %and3A_69 : vector<16xi32>
    %add3A_71 = arith.addi %mul3A_67, %and3A_70 : vector<16xi32>
    %get3A_72 = arith.constant 96 : index
    %get3A_73 = tpu.vector_load %arg5[%get3A_72] {strides = array<i32>} : memref<128xi32, #tpu.memory_space<vmem>>, vector<16xi32>,
    %shift_right_arithmetic3A_74 = arith.constant 7 : i32
    %shift_right_arithmetic3A_75 = vector.broadcast %shift_right_arithmetic3A_74 : i32 to vector<16xi32>
    %shift_right_arithmetic3A_76 = arith.shrsi %get3A_73, %shift_right_arithmetic3A_75 : vector<16xi32>
    %mul3A_77 = arith.constant 1024 : i32
    %mul3A_78 = vector.broadcast %mul3A_77 : i32 to vector<16xi32>
    %mul3A_79 = arith.muli %shift_right_arithmetic3A_76, %mul3A_78 : vector<16xi32>
    %and3A_80 = arith.constant 127 : i32
    %and3A_81 = vector.broadcast %and3A_80 : i32 to vector<16xi32>
    %and3A_82 = arith.andi %get3A_73, %and3A_81 : vector<16xi32>
    %add3A_83 = arith.addi %mul3A_79, %and3A_82 : vector<16xi32>
    %get3A_84 = arith.constant 112 : index
    %get3A_85 = tpu.vector_load %arg5[%get3A_84] {strides = array<i32>} : memref<128xi32, #tpu.memory_space<vmem>>, vector<16xi32>,
    %shift_right_arithmetic3A_86 = arith.constant 7 : i32
    %shift_right_arithmetic3A_87 = vector.broadcast %shift_right_arithmetic3A_86 : i32 to vector<16xi32>
    %shift_right_arithmetic3A_88 = arith.shrsi %get3A_85, %shift_right_arithmetic3A_87 : vector<16xi32>
    %mul3A_89 = arith.constant 1024 : i32
    %mul3A_90 = vector.broadcast %mul3A_89 : i32 to vector<16xi32>
    %mul3A_91 = arith.muli %shift_right_arithmetic3A_88, %mul3A_90 : vector<16xi32>
    %and3A_92 = arith.constant 127 : i32
    %and3A_93 = vector.broadcast %and3A_92 : i32 to vector<16xi32>
    %and3A_94 = arith.andi %get3A_85, %and3A_93 : vector<16xi32>
    %add3A_95 = arith.addi %mul3A_91, %and3A_94 : vector<16xi32>
    %add3A_96 = arith.constant 0 : i32
    %add3A_97 = arith.addi %mul3A_2, %add3A_96 : i32
    %mul3A_98 = arith.constant 512 : i32
    %mul3A_99 = arith.muli %add3A_97, %mul3A_98 : i32
    %dma_start3A = tpu.memref_slice %arg2[%mul3A_99] : memref<8388608xf32, #tpu.memory_space<hbm>> -> memref<32768xf32, #tpu.memory_space<hbm>>
    %dma_start3A_100 = tpu.memref_slice %arg2[%mul3A_99] : memref<8388608xf32, #tpu.memory_space<hbm>> -> memref<32768xf32, #tpu.memory_space<hbm>>
    tpu.enqueue_dma source(%dma_start3A_100 : memref<32768xf32, #tpu.memory_space<hbm>>) target(%arg6 : memref<32768xf32, #tpu.memory_space<vmem>>) target_semaphore(%arg10 : memref<!tpu.dma_semaphore, #tpu.memory_space<semaphore_mem>>)
    %scan3A = arith.constant 0 : i32
    %scan3A_101 = arith.constant 0 : i32
    %scan3A_102 = arith.constant 4 : i32
    %scan3A_103 = arith.addi %scan3A_101, %scan3A_102 : i32
    %scan3A_104 = arith.constant 1 : i32
    scf.for %scan3A_117 = %scan3A_101 to %scan3A_103 step %scan3A_104  : i32 {
      %mul3A_118 = arith.constant 2 : i32
      %mul3A_119 = arith.muli %scan3A_117, %mul3A_118 : i32
      %add3A_120 = arith.constant 0 : i32
      %add3A_121 = arith.addi %mul3A_119, %add3A_120 : i32
      %add3A_122 = arith.constant 2 : i32
      %add3A_123 = arith.addi %add3A_121, %add3A_122 : i32
      %sub3A = arith.constant 1 : i32
      %sub3A_124 = arith.subi %add3A_123, %sub3A : i32
      %lt3A = arith.constant 8 : i32
      %lt3A_125 = arith.cmpi slt, %sub3A_124, %lt3A : i32
      %convert_element_type3A = arith.extui %lt3A_125 : i1 to i32
      %cond3A = arith.constant 0 : i32
      %cond3A_126 = arith.cmpi ne, %convert_element_type3A, %cond3A : i32
      scf.if %cond3A_126 {
        %add3A_182 = arith.constant 2 : i32
        %add3A_183 = arith.addi %add3A_121, %add3A_182 : i32
        %sub3A_184 = arith.constant 1 : i32
        %sub3A_185 = arith.subi %add3A_183, %sub3A_184 : i32
        %mul3A_186 = arith.constant 64 : i32
        %mul3A_187 = arith.muli %sub3A_185, %mul3A_186 : i32
        %add3A_188 = arith.addi %mul3A_2, %mul3A_187 : i32
        %mul3A_189 = arith.constant 512 : i32
        %mul3A_190 = arith.muli %add3A_188, %mul3A_189 : i32
        %dma_start3A_191 = tpu.memref_slice %arg2[%mul3A_190] : memref<8388608xf32, #tpu.memory_space<hbm>> -> memref<32768xf32, #tpu.memory_space<hbm>>
        %dma_start3A_192 = tpu.memref_slice %arg2[%mul3A_190] : memref<8388608xf32, #tpu.memory_space<hbm>> -> memref<32768xf32, #tpu.memory_space<hbm>>
        tpu.enqueue_dma source(%dma_start3A_192 : memref<32768xf32, #tpu.memory_space<hbm>>) target(%arg7 : memref<32768xf32, #tpu.memory_space<vmem>>) target_semaphore(%arg10 : memref<!tpu.dma_semaphore, #tpu.memory_space<semaphore_mem>>)
      } else {
      }
      %mul3A_127 = arith.constant 64 : i32
      %mul3A_128 = arith.muli %add3A_121, %mul3A_127 : i32
      %add3A_129 = arith.addi %mul3A_2, %mul3A_128 : i32
      %mul3A_130 = arith.constant 512 : i32
      %mul3A_131 = arith.muli %add3A_129, %mul3A_130 : i32
      %dma_wait3A_132 = tpu.memref_slice %arg2[%mul3A_131] : memref<8388608xf32, #tpu.memory_space<hbm>> -> memref<32768xf32, #tpu.memory_space<hbm>>
      %dma_wait3A_133 = tpu.memref_slice %arg2[%mul3A_131] : memref<8388608xf32, #tpu.memory_space<hbm>> -> memref<32768xf32, #tpu.memory_space<hbm>>
      tpu.wait_dma2 semaphore(%arg10 : memref<!tpu.dma_semaphore, #tpu.memory_space<semaphore_mem>>) src(%dma_wait3A_133 : memref<32768xf32, #tpu.memory_space<hbm>>) dst(%arg6 : memref<32768xf32, #tpu.memory_space<vmem>>)
      %ge3A = arith.constant 2 : i32
      %ge3A_134 = arith.cmpi sge, %add3A_121, %ge3A : i32
      %convert_element_type3A_135 = arith.extui %ge3A_134 : i1 to i32
      %cond3A_136 = arith.constant 0 : i32
      %cond3A_137 = arith.cmpi ne, %convert_element_type3A_135, %cond3A_136 : i32
      scf.if %cond3A_137 {
        %sub3A_182 = arith.constant 2 : i32
        %sub3A_183 = arith.subi %add3A_121, %sub3A_182 : i32
        %mul3A_184 = arith.constant 64 : i32
        %mul3A_185 = arith.muli %sub3A_183, %mul3A_184 : i32
        %add3A_186 = arith.addi %mul3A_2, %mul3A_185 : i32
        %mul3A_187 = arith.constant 128 : i32
        %mul3A_188 = arith.muli %add3A_186, %mul3A_187 : i32
        %dma_wait3A_189 = tpu.memref_slice %arg4[%mul3A_188] : memref<2097152xf32, #tpu.memory_space<hbm>> -> memref<8192xf32, #tpu.memory_space<hbm>>
        %dma_wait3A_190 = tpu.memref_slice %arg4[%mul3A_188] : memref<2097152xf32, #tpu.memory_space<hbm>> -> memref<8192xf32, #tpu.memory_space<hbm>>
        tpu.wait_dma2 semaphore(%arg11 : memref<!tpu.dma_semaphore, #tpu.memory_space<semaphore_mem>>) src(%arg8 : memref<8192xf32, #tpu.memory_space<vmem>>) dst(%dma_wait3A_190 : memref<8192xf32, #tpu.memory_space<hbm>>)
      } else {
      }
      %parallel_loop3A = arith.constant 0 : i32
      %parallel_loop3A_138 = arith.constant 64 : i32
      %parallel_loop3A_139 = arith.constant 1 : i32
      scf.for %parallel_loop3A_182 = %parallel_loop3A to %parallel_loop3A_138 step %parallel_loop3A_139  : i32 {
        %parallel_loop3A_183 = arith.constant 3 : i32
        %parallel_loop3A_184 = arith.shrsi %parallel_loop3A_182, %parallel_loop3A_183 : i32
        %parallel_loop3A_185 = arith.constant 4096 : i32
        %parallel_loop3A_186 = arith.muli %parallel_loop3A_184, %parallel_loop3A_185 : i32
        %parallel_loop3A_187 = arith.constant 7 : i32
        %parallel_loop3A_188 = arith.andi %parallel_loop3A_182, %parallel_loop3A_187 : i32
        %parallel_loop3A_189 = arith.constant 128 : i32
        %parallel_loop3A_190 = arith.muli %parallel_loop3A_188, %parallel_loop3A_189 : i32
        %parallel_loop3A_191 = arith.addi %parallel_loop3A_186, %parallel_loop3A_190 : i32
        %parallel_loop3A_192 = vector.broadcast %parallel_loop3A_191 : i32 to vector<16xi32>
        %parallel_loop3A_193 = arith.constant 128 : i32
        %parallel_loop3A_194 = arith.muli %parallel_loop3A_182, %parallel_loop3A_193 : i32
        %parallel_loop3A_195 = arith.addi %parallel_loop3A_192, %add3A_11 : vector<16xi32>
        %parallel_loop3A_196 = tpu.vector_load_idx %arg6[%parallel_loop3A_195] : memref<32768xf32, #tpu.memory_space<vmem>>[vector<16xi32>], vector<16xf32>,
        %parallel_loop3A_197 = arith.constant 0 : i32
        %parallel_loop3A_198 = arith.addi %parallel_loop3A_194, %parallel_loop3A_197 : i32
        %parallel_loop3A_199 = arith.index_cast %parallel_loop3A_198 : i32 to index
        %parallel_loop3A_200 = tpu.vector_load %arg8[%parallel_loop3A_199] {strides = array<i32>} : memref<8192xf32, #tpu.memory_space<vmem>>, vector<16xf32>,
        tpu.vector_store %arg8[%parallel_loop3A_199], %parallel_loop3A_196 {strides = array<i32>} : memref<8192xf32, #tpu.memory_space<vmem>>, vector<16xf32>,
        %parallel_loop3A_201 = arith.addi %parallel_loop3A_192, %add3A_23 : vector<16xi32>
        %parallel_loop3A_202 = tpu.vector_load_idx %arg6[%parallel_loop3A_201] : memref<32768xf32, #tpu.memory_space<vmem>>[vector<16xi32>], vector<16xf32>,
        %parallel_loop3A_203 = arith.constant 16 : i32
        %parallel_loop3A_204 = arith.addi %parallel_loop3A_194, %parallel_loop3A_203 : i32
        %parallel_loop3A_205 = arith.index_cast %parallel_loop3A_204 : i32 to index
        %parallel_loop3A_206 = tpu.vector_load %arg8[%parallel_loop3A_205] {strides = array<i32>} : memref<8192xf32, #tpu.memory_space<vmem>>, vector<16xf32>,
        tpu.vector_store %arg8[%parallel_loop3A_205], %parallel_loop3A_202 {strides = array<i32>} : memref<8192xf32, #tpu.memory_space<vmem>>, vector<16xf32>,
        %parallel_loop3A_207 = arith.addi %parallel_loop3A_192, %add3A_35 : vector<16xi32>
        %parallel_loop3A_208 = tpu.vector_load_idx %arg6[%parallel_loop3A_207] : memref<32768xf32, #tpu.memory_space<vmem>>[vector<16xi32>], vector<16xf32>,
        %parallel_loop3A_209 = arith.constant 32 : i32
        %parallel_loop3A_210 = arith.addi %parallel_loop3A_194, %parallel_loop3A_209 : i32
        %parallel_loop3A_211 = arith.index_cast %parallel_loop3A_210 : i32 to index
        %parallel_loop3A_212 = tpu.vector_load %arg8[%parallel_loop3A_211] {strides = array<i32>} : memref<8192xf32, #tpu.memory_space<vmem>>, vector<16xf32>,
        tpu.vector_store %arg8[%parallel_loop3A_211], %parallel_loop3A_208 {strides = array<i32>} : memref<8192xf32, #tpu.memory_space<vmem>>, vector<16xf32>,
        %parallel_loop3A_213 = arith.addi %parallel_loop3A_192, %add3A_47 : vector<16xi32>
        %parallel_loop3A_214 = tpu.vector_load_idx %arg6[%parallel_loop3A_213] : memref<32768xf32, #tpu.memory_space<vmem>>[vector<16xi32>], vector<16xf32>,
        %parallel_loop3A_215 = arith.constant 48 : i32
        %parallel_loop3A_216 = arith.addi %parallel_loop3A_194, %parallel_loop3A_215 : i32
        %parallel_loop3A_217 = arith.index_cast %parallel_loop3A_216 : i32 to index
        %parallel_loop3A_218 = tpu.vector_load %arg8[%parallel_loop3A_217] {strides = array<i32>} : memref<8192xf32, #tpu.memory_space<vmem>>, vector<16xf32>,
        tpu.vector_store %arg8[%parallel_loop3A_217], %parallel_loop3A_214 {strides = array<i32>} : memref<8192xf32, #tpu.memory_space<vmem>>, vector<16xf32>,
        %parallel_loop3A_219 = arith.addi %parallel_loop3A_192, %add3A_59 : vector<16xi32>
        %parallel_loop3A_220 = tpu.vector_load_idx %arg6[%parallel_loop3A_219] : memref<32768xf32, #tpu.memory_space<vmem>>[vector<16xi32>], vector<16xf32>,
        %parallel_loop3A_221 = arith.constant 64 : i32
        %parallel_loop3A_222 = arith.addi %parallel_loop3A_194, %parallel_loop3A_221 : i32
        %parallel_loop3A_223 = arith.index_cast %parallel_loop3A_222 : i32 to index
        %parallel_loop3A_224 = tpu.vector_load %arg8[%parallel_loop3A_223] {strides = array<i32>} : memref<8192xf32, #tpu.memory_space<vmem>>, vector<16xf32>,
        tpu.vector_store %arg8[%parallel_loop3A_223], %parallel_loop3A_220 {strides = array<i32>} : memref<8192xf32, #tpu.memory_space<vmem>>, vector<16xf32>,
        %parallel_loop3A_225 = arith.addi %parallel_loop3A_192, %add3A_71 : vector<16xi32>
        %parallel_loop3A_226 = tpu.vector_load_idx %arg6[%parallel_loop3A_225] : memref<32768xf32, #tpu.memory_space<vmem>>[vector<16xi32>], vector<16xf32>,
        %parallel_loop3A_227 = arith.constant 80 : i32
        %parallel_loop3A_228 = arith.addi %parallel_loop3A_194, %parallel_loop3A_227 : i32
        %parallel_loop3A_229 = arith.index_cast %parallel_loop3A_228 : i32 to index
        %parallel_loop3A_230 = tpu.vector_load %arg8[%parallel_loop3A_229] {strides = array<i32>} : memref<8192xf32, #tpu.memory_space<vmem>>, vector<16xf32>,
        tpu.vector_store %arg8[%parallel_loop3A_229], %parallel_loop3A_226 {strides = array<i32>} : memref<8192xf32, #tpu.memory_space<vmem>>, vector<16xf32>,
        %parallel_loop3A_231 = arith.addi %parallel_loop3A_192, %add3A_83 : vector<16xi32>
        %parallel_loop3A_232 = tpu.vector_load_idx %arg6[%parallel_loop3A_231] : memref<32768xf32, #tpu.memory_space<vmem>>[vector<16xi32>], vector<16xf32>,
        %parallel_loop3A_233 = arith.constant 96 : i32
        %parallel_loop3A_234 = arith.addi %parallel_loop3A_194, %parallel_loop3A_233 : i32
        %parallel_loop3A_235 = arith.index_cast %parallel_loop3A_234 : i32 to index
        %parallel_loop3A_236 = tpu.vector_load %arg8[%parallel_loop3A_235] {strides = array<i32>} : memref<8192xf32, #tpu.memory_space<vmem>>, vector<16xf32>,
        tpu.vector_store %arg8[%parallel_loop3A_235], %parallel_loop3A_232 {strides = array<i32>} : memref<8192xf32, #tpu.memory_space<vmem>>, vector<16xf32>,
        %parallel_loop3A_237 = arith.addi %parallel_loop3A_192, %add3A_95 : vector<16xi32>
        %parallel_loop3A_238 = tpu.vector_load_idx %arg6[%parallel_loop3A_237] : memref<32768xf32, #tpu.memory_space<vmem>>[vector<16xi32>], vector<16xf32>,
        %parallel_loop3A_239 = arith.constant 112 : i32
        %parallel_loop3A_240 = arith.addi %parallel_loop3A_194, %parallel_loop3A_239 : i32
        %parallel_loop3A_241 = arith.index_cast %parallel_loop3A_240 : i32 to index
        %parallel_loop3A_242 = tpu.vector_load %arg8[%parallel_loop3A_241] {strides = array<i32>} : memref<8192xf32, #tpu.memory_space<vmem>>, vector<16xf32>,
        tpu.vector_store %arg8[%parallel_loop3A_241], %parallel_loop3A_238 {strides = array<i32>} : memref<8192xf32, #tpu.memory_space<vmem>>, vector<16xf32>,
      } {sc.loop_unroll_factor = 2 : i64, sc.parallel_access}
      %mul3A_140 = arith.constant 64 : i32
      %mul3A_141 = arith.muli %add3A_121, %mul3A_140 : i32
      %add3A_142 = arith.addi %mul3A_2, %mul3A_141 : i32
      %mul3A_143 = arith.constant 128 : i32
      %mul3A_144 = arith.muli %add3A_142, %mul3A_143 : i32
      %dma_start3A_145 = tpu.memref_slice %arg4[%mul3A_144] : memref<2097152xf32, #tpu.memory_space<hbm>> -> memref<8192xf32, #tpu.memory_space<hbm>>
      %dma_start3A_146 = tpu.memref_slice %arg4[%mul3A_144] : memref<2097152xf32, #tpu.memory_space<hbm>> -> memref<8192xf32, #tpu.memory_space<hbm>>
      tpu.enqueue_dma source(%arg8 : memref<8192xf32, #tpu.memory_space<vmem>>) target(%dma_start3A_146 : memref<8192xf32, #tpu.memory_space<hbm>>) target_semaphore(%arg11 : memref<!tpu.dma_semaphore, #tpu.memory_space<semaphore_mem>>)
      %mul3A_147 = arith.constant 2 : i32
      %mul3A_148 = arith.muli %scan3A_117, %mul3A_147 : i32
      %add3A_149 = arith.constant 1 : i32
      %add3A_150 = arith.addi %mul3A_148, %add3A_149 : i32
      %add3A_151 = arith.constant 2 : i32
      %add3A_152 = arith.addi %add3A_150, %add3A_151 : i32
      %sub3A_153 = arith.constant 1 : i32
      %sub3A_154 = arith.subi %add3A_152, %sub3A_153 : i32
      %lt3A_155 = arith.constant 8 : i32
      %lt3A_156 = arith.cmpi slt, %sub3A_154, %lt3A_155 : i32
      %convert_element_type3A_157 = arith.extui %lt3A_156 : i1 to i32
      %cond3A_158 = arith.constant 0 : i32
      %cond3A_159 = arith.cmpi ne, %convert_element_type3A_157, %cond3A_158 : i32
      scf.if %cond3A_159 {
        %add3A_182 = arith.constant 2 : i32
        %add3A_183 = arith.addi %add3A_150, %add3A_182 : i32
        %sub3A_184 = arith.constant 1 : i32
        %sub3A_185 = arith.subi %add3A_183, %sub3A_184 : i32
        %mul3A_186 = arith.constant 64 : i32
        %mul3A_187 = arith.muli %sub3A_185, %mul3A_186 : i32
        %add3A_188 = arith.addi %mul3A_2, %mul3A_187 : i32
        %mul3A_189 = arith.constant 512 : i32
        %mul3A_190 = arith.muli %add3A_188, %mul3A_189 : i32
        %dma_start3A_191 = tpu.memref_slice %arg2[%mul3A_190] : memref<8388608xf32, #tpu.memory_space<hbm>> -> memref<32768xf32, #tpu.memory_space<hbm>>
        %dma_start3A_192 = tpu.memref_slice %arg2[%mul3A_190] : memref<8388608xf32, #tpu.memory_space<hbm>> -> memref<32768xf32, #tpu.memory_space<hbm>>
        tpu.enqueue_dma source(%dma_start3A_192 : memref<32768xf32, #tpu.memory_space<hbm>>) target(%arg6 : memref<32768xf32, #tpu.memory_space<vmem>>) target_semaphore(%arg10 : memref<!tpu.dma_semaphore, #tpu.memory_space<semaphore_mem>>)
      } else {
      }
      %mul3A_160 = arith.constant 64 : i32
      %mul3A_161 = arith.muli %add3A_150, %mul3A_160 : i32
      %add3A_162 = arith.addi %mul3A_2, %mul3A_161 : i32
      %mul3A_163 = arith.constant 512 : i32
      %mul3A_164 = arith.muli %add3A_162, %mul3A_163 : i32
      %dma_wait3A_165 = tpu.memref_slice %arg2[%mul3A_164] : memref<8388608xf32, #tpu.memory_space<hbm>> -> memref<32768xf32, #tpu.memory_space<hbm>>
      %dma_wait3A_166 = tpu.memref_slice %arg2[%mul3A_164] : memref<8388608xf32, #tpu.memory_space<hbm>> -> memref<32768xf32, #tpu.memory_space<hbm>>
      tpu.wait_dma2 semaphore(%arg10 : memref<!tpu.dma_semaphore, #tpu.memory_space<semaphore_mem>>) src(%dma_wait3A_166 : memref<32768xf32, #tpu.memory_space<hbm>>) dst(%arg7 : memref<32768xf32, #tpu.memory_space<vmem>>)
      %ge3A_167 = arith.constant 2 : i32
      %ge3A_168 = arith.cmpi sge, %add3A_150, %ge3A_167 : i32
      %convert_element_type3A_169 = arith.extui %ge3A_168 : i1 to i32
      %cond3A_170 = arith.constant 0 : i32
      %cond3A_171 = arith.cmpi ne, %convert_element_type3A_169, %cond3A_170 : i32
      scf.if %cond3A_171 {
        %sub3A_182 = arith.constant 2 : i32
        %sub3A_183 = arith.subi %add3A_150, %sub3A_182 : i32
        %mul3A_184 = arith.constant 64 : i32
        %mul3A_185 = arith.muli %sub3A_183, %mul3A_184 : i32
        %add3A_186 = arith.addi %mul3A_2, %mul3A_185 : i32
        %mul3A_187 = arith.constant 128 : i32
        %mul3A_188 = arith.muli %add3A_186, %mul3A_187 : i32
        %dma_wait3A_189 = tpu.memref_slice %arg4[%mul3A_188] : memref<2097152xf32, #tpu.memory_space<hbm>> -> memref<8192xf32, #tpu.memory_space<hbm>>
        %dma_wait3A_190 = tpu.memref_slice %arg4[%mul3A_188] : memref<2097152xf32, #tpu.memory_space<hbm>> -> memref<8192xf32, #tpu.memory_space<hbm>>
        tpu.wait_dma2 semaphore(%arg11 : memref<!tpu.dma_semaphore, #tpu.memory_space<semaphore_mem>>) src(%arg9 : memref<8192xf32, #tpu.memory_space<vmem>>) dst(%dma_wait3A_190 : memref<8192xf32, #tpu.memory_space<hbm>>)
      } else {
      }
      %parallel_loop3A_172 = arith.constant 0 : i32
      %parallel_loop3A_173 = arith.constant 64 : i32
      %parallel_loop3A_174 = arith.constant 1 : i32
      scf.for %parallel_loop3A_182 = %parallel_loop3A_172 to %parallel_loop3A_173 step %parallel_loop3A_174  : i32 {
        %parallel_loop3A_183 = arith.constant 3 : i32
        %parallel_loop3A_184 = arith.shrsi %parallel_loop3A_182, %parallel_loop3A_183 : i32
        %parallel_loop3A_185 = arith.constant 4096 : i32
        %parallel_loop3A_186 = arith.muli %parallel_loop3A_184, %parallel_loop3A_185 : i32
        %parallel_loop3A_187 = arith.constant 7 : i32
        %parallel_loop3A_188 = arith.andi %parallel_loop3A_182, %parallel_loop3A_187 : i32
        %parallel_loop3A_189 = arith.constant 128 : i32
        %parallel_loop3A_190 = arith.muli %parallel_loop3A_188, %parallel_loop3A_189 : i32
        %parallel_loop3A_191 = arith.addi %parallel_loop3A_186, %parallel_loop3A_190 : i32
        %parallel_loop3A_192 = vector.broadcast %parallel_loop3A_191 : i32 to vector<16xi32>
        %parallel_loop3A_193 = arith.constant 128 : i32
        %parallel_loop3A_194 = arith.muli %parallel_loop3A_182, %parallel_loop3A_193 : i32
        %parallel_loop3A_195 = arith.addi %parallel_loop3A_192, %add3A_11 : vector<16xi32>
        %parallel_loop3A_196 = tpu.vector_load_idx %arg7[%parallel_loop3A_195] : memref<32768xf32, #tpu.memory_space<vmem>>[vector<16xi32>], vector<16xf32>,
        %parallel_loop3A_197 = arith.constant 0 : i32
        %parallel_loop3A_198 = arith.addi %parallel_loop3A_194, %parallel_loop3A_197 : i32
        %parallel_loop3A_199 = arith.index_cast %parallel_loop3A_198 : i32 to index
        %parallel_loop3A_200 = tpu.vector_load %arg9[%parallel_loop3A_199] {strides = array<i32>} : memref<8192xf32, #tpu.memory_space<vmem>>, vector<16xf32>,
        tpu.vector_store %arg9[%parallel_loop3A_199], %parallel_loop3A_196 {strides = array<i32>} : memref<8192xf32, #tpu.memory_space<vmem>>, vector<16xf32>,
        %parallel_loop3A_201 = arith.addi %parallel_loop3A_192, %add3A_23 : vector<16xi32>
        %parallel_loop3A_202 = tpu.vector_load_idx %arg7[%parallel_loop3A_201] : memref<32768xf32, #tpu.memory_space<vmem>>[vector<16xi32>], vector<16xf32>,
        %parallel_loop3A_203 = arith.constant 16 : i32
        %parallel_loop3A_204 = arith.addi %parallel_loop3A_194, %parallel_loop3A_203 : i32
        %parallel_loop3A_205 = arith.index_cast %parallel_loop3A_204 : i32 to index
        %parallel_loop3A_206 = tpu.vector_load %arg9[%parallel_loop3A_205] {strides = array<i32>} : memref<8192xf32, #tpu.memory_space<vmem>>, vector<16xf32>,
        tpu.vector_store %arg9[%parallel_loop3A_205], %parallel_loop3A_202 {strides = array<i32>} : memref<8192xf32, #tpu.memory_space<vmem>>, vector<16xf32>,
        %parallel_loop3A_207 = arith.addi %parallel_loop3A_192, %add3A_35 : vector<16xi32>
        %parallel_loop3A_208 = tpu.vector_load_idx %arg7[%parallel_loop3A_207] : memref<32768xf32, #tpu.memory_space<vmem>>[vector<16xi32>], vector<16xf32>,
        %parallel_loop3A_209 = arith.constant 32 : i32
        %parallel_loop3A_210 = arith.addi %parallel_loop3A_194, %parallel_loop3A_209 : i32
        %parallel_loop3A_211 = arith.index_cast %parallel_loop3A_210 : i32 to index
        %parallel_loop3A_212 = tpu.vector_load %arg9[%parallel_loop3A_211] {strides = array<i32>} : memref<8192xf32, #tpu.memory_space<vmem>>, vector<16xf32>,
        tpu.vector_store %arg9[%parallel_loop3A_211], %parallel_loop3A_208 {strides = array<i32>} : memref<8192xf32, #tpu.memory_space<vmem>>, vector<16xf32>,
        %parallel_loop3A_213 = arith.addi %parallel_loop3A_192, %add3A_47 : vector<16xi32>
        %parallel_loop3A_214 = tpu.vector_load_idx %arg7[%parallel_loop3A_213] : memref<32768xf32, #tpu.memory_space<vmem>>[vector<16xi32>], vector<16xf32>,
        %parallel_loop3A_215 = arith.constant 48 : i32
        %parallel_loop3A_216 = arith.addi %parallel_loop3A_194, %parallel_loop3A_215 : i32
        %parallel_loop3A_217 = arith.index_cast %parallel_loop3A_216 : i32 to index
        %parallel_loop3A_218 = tpu.vector_load %arg9[%parallel_loop3A_217] {strides = array<i32>} : memref<8192xf32, #tpu.memory_space<vmem>>, vector<16xf32>,
        tpu.vector_store %arg9[%parallel_loop3A_217], %parallel_loop3A_214 {strides = array<i32>} : memref<8192xf32, #tpu.memory_space<vmem>>, vector<16xf32>,
        %parallel_loop3A_219 = arith.addi %parallel_loop3A_192, %add3A_59 : vector<16xi32>
        %parallel_loop3A_220 = tpu.vector_load_idx %arg7[%parallel_loop3A_219] : memref<32768xf32, #tpu.memory_space<vmem>>[vector<16xi32>], vector<16xf32>,
        %parallel_loop3A_221 = arith.constant 64 : i32
        %parallel_loop3A_222 = arith.addi %parallel_loop3A_194, %parallel_loop3A_221 : i32
        %parallel_loop3A_223 = arith.index_cast %parallel_loop3A_222 : i32 to index
        %parallel_loop3A_224 = tpu.vector_load %arg9[%parallel_loop3A_223] {strides = array<i32>} : memref<8192xf32, #tpu.memory_space<vmem>>, vector<16xf32>,
        tpu.vector_store %arg9[%parallel_loop3A_223], %parallel_loop3A_220 {strides = array<i32>} : memref<8192xf32, #tpu.memory_space<vmem>>, vector<16xf32>,
        %parallel_loop3A_225 = arith.addi %parallel_loop3A_192, %add3A_71 : vector<16xi32>
        %parallel_loop3A_226 = tpu.vector_load_idx %arg7[%parallel_loop3A_225] : memref<32768xf32, #tpu.memory_space<vmem>>[vector<16xi32>], vector<16xf32>,
        %parallel_loop3A_227 = arith.constant 80 : i32
        %parallel_loop3A_228 = arith.addi %parallel_loop3A_194, %parallel_loop3A_227 : i32
        %parallel_loop3A_229 = arith.index_cast %parallel_loop3A_228 : i32 to index
        %parallel_loop3A_230 = tpu.vector_load %arg9[%parallel_loop3A_229] {strides = array<i32>} : memref<8192xf32, #tpu.memory_space<vmem>>, vector<16xf32>,
        tpu.vector_store %arg9[%parallel_loop3A_229], %parallel_loop3A_226 {strides = array<i32>} : memref<8192xf32, #tpu.memory_space<vmem>>, vector<16xf32>,
        %parallel_loop3A_231 = arith.addi %parallel_loop3A_192, %add3A_83 : vector<16xi32>
        %parallel_loop3A_232 = tpu.vector_load_idx %arg7[%parallel_loop3A_231] : memref<32768xf32, #tpu.memory_space<vmem>>[vector<16xi32>], vector<16xf32>,
        %parallel_loop3A_233 = arith.constant 96 : i32
        %parallel_loop3A_234 = arith.addi %parallel_loop3A_194, %parallel_loop3A_233 : i32
        %parallel_loop3A_235 = arith.index_cast %parallel_loop3A_234 : i32 to index
        %parallel_loop3A_236 = tpu.vector_load %arg9[%parallel_loop3A_235] {strides = array<i32>} : memref<8192xf32, #tpu.memory_space<vmem>>, vector<16xf32>,
        tpu.vector_store %arg9[%parallel_loop3A_235], %parallel_loop3A_232 {strides = array<i32>} : memref<8192xf32, #tpu.memory_space<vmem>>, vector<16xf32>,
        %parallel_loop3A_237 = arith.addi %parallel_loop3A_192, %add3A_95 : vector<16xi32>
        %parallel_loop3A_238 = tpu.vector_load_idx %arg7[%parallel_loop3A_237] : memref<32768xf32, #tpu.memory_space<vmem>>[vector<16xi32>], vector<16xf32>,
        %parallel_loop3A_239 = arith.constant 112 : i32
        %parallel_loop3A_240 = arith.addi %parallel_loop3A_194, %parallel_loop3A_239 : i32
        %parallel_loop3A_241 = arith.index_cast %parallel_loop3A_240 : i32 to index
        %parallel_loop3A_242 = tpu.vector_load %arg9[%parallel_loop3A_241] {strides = array<i32>} : memref<8192xf32, #tpu.memory_space<vmem>>, vector<16xf32>,
        tpu.vector_store %arg9[%parallel_loop3A_241], %parallel_loop3A_238 {strides = array<i32>} : memref<8192xf32, #tpu.memory_space<vmem>>, vector<16xf32>,
      } {sc.loop_unroll_factor = 2 : i64, sc.parallel_access}
      %mul3A_175 = arith.constant 64 : i32
      %mul3A_176 = arith.muli %add3A_150, %mul3A_175 : i32
      %add3A_177 = arith.addi %mul3A_2, %mul3A_176 : i32
      %mul3A_178 = arith.constant 128 : i32
      %mul3A_179 = arith.muli %add3A_177, %mul3A_178 : i32
      %dma_start3A_180 = tpu.memref_slice %arg4[%mul3A_179] : memref<2097152xf32, #tpu.memory_space<hbm>> -> memref<8192xf32, #tpu.memory_space<hbm>>
      %dma_start3A_181 = tpu.memref_slice %arg4[%mul3A_179] : memref<2097152xf32, #tpu.memory_space<hbm>> -> memref<8192xf32, #tpu.memory_space<hbm>>
      tpu.enqueue_dma source(%arg9 : memref<8192xf32, #tpu.memory_space<vmem>>) target(%dma_start3A_181 : memref<8192xf32, #tpu.memory_space<hbm>>) target_semaphore(%arg11 : memref<!tpu.dma_semaphore, #tpu.memory_space<semaphore_mem>>)
    }
    %scan3A_105 = arith.constant 4 : i32
    %add3A_106 = arith.constant 384 : i32
    %add3A_107 = arith.addi %mul3A_2, %add3A_106 : i32
    %mul3A_108 = arith.constant 128 : i32
    %mul3A_109 = arith.muli %add3A_107, %mul3A_108 : i32
    %dma_wait3A = tpu.memref_slice %arg4[%mul3A_109] : memref<2097152xf32, #tpu.memory_space<hbm>> -> memref<8192xf32, #tpu.memory_space<hbm>>
    %dma_wait3A_110 = tpu.memref_slice %arg4[%mul3A_109] : memref<2097152xf32, #tpu.memory_space<hbm>> -> memref<8192xf32, #tpu.memory_space<hbm>>
    tpu.wait_dma2 semaphore(%arg11 : memref<!tpu.dma_semaphore, #tpu.memory_space<semaphore_mem>>) src(%arg8 : memref<8192xf32, #tpu.memory_space<vmem>>) dst(%dma_wait3A_110 : memref<8192xf32, #tpu.memory_space<hbm>>)
    %add3A_111 = arith.constant 448 : i32
    %add3A_112 = arith.addi %mul3A_2, %add3A_111 : i32
    %mul3A_113 = arith.constant 128 : i32
    %mul3A_114 = arith.muli %add3A_112, %mul3A_113 : i32
    %dma_wait3A_115 = tpu.memref_slice %arg4[%mul3A_114] : memref<2097152xf32, #tpu.memory_space<hbm>> -> memref<8192xf32, #tpu.memory_space<hbm>>
    %dma_wait3A_116 = tpu.memref_slice %arg4[%mul3A_114] : memref<2097152xf32, #tpu.memory_space<hbm>> -> memref<8192xf32, #tpu.memory_space<hbm>>
    tpu.wait_dma2 semaphore(%arg11 : memref<!tpu.dma_semaphore, #tpu.memory_space<semaphore_mem>>) src(%arg9 : memref<8192xf32, #tpu.memory_space<vmem>>) dst(%dma_wait3A_116 : memref<8192xf32, #tpu.memory_space<hbm>>)
    return
  }
}

</mosaic_0001>

<sc_bundles>
// kernel: kernel.3.cloned.1.call-start
scs
__scs_entry_jumppad:
0x0: {  	(pc) =	sbr.rel $0x88, $3  }
0x1: {  	(tag) =	ssettag $0x0;
	lr =	simm.s32 $0x1  }
0x2: {  	[smem:$0x3F9F] =	sst lr;
	_ =	strace $0xD0000000  }
0x3: {  	_ = 	snop  }
0x4: {  	_ = 	snop  }
0x5: {  	_ = 	snop  }
0x6: {  	_ = 	snop  }
0x7: {  	_ = 	snop  }
__scs_overlays_trampoline_lowered:
0x8: {  	[smem:$0x3FAE] =	sst s0  }
0x9: {  	[smem:$0x3FAF] =	sst s1  }
0xa: {  	[smem:$0x3FB0] =	sst s2  }
0xb: {  	[smem:$0x3FB1] =	sst s3  }
0xc: {  	[smem:$0x3FB2] =	sst s4  }
0xd: {  	[smem:$0x3FB3] =	sst s5  }
0xe: {  	[smem:$0x3FB4] =	sst s6  }
0xf: {  	[smem:$0x3FB5] =	sst s7  }
0x10: {  	[smem:$0x3FB6] =	sst s8  }
0x11: {  	[smem:$0x3FB7] =	sst s9;
	s0 =	simm.s32 @!p0 $0x0  }
0x12: {  	s1 =	sld [smem:$0x3F9D];
	s0 =	simm.s32 @p0 $0x1  }
0x13: {  	[smem:$0x3FB8] =	sst s0;
	s0 =	simm.s32 @!p1 $0x0  }
0x14: {  	s2 =	sld [smem:$0x3F9C];
	s0 =	simm.s32 @p1 $0x1  }
0x15: {  	[smem:$0x3FB9] =	sst s0;
	s0 =	simm.s32 @!p2 $0x0  }
0x16: {  	s3 =	sld [smem:$0x3FDB];
	s0 =	simm.s32 @p2 $0x1  }
0x17: {  	s4 =	simm.s32 $0x1BF5;
	[smem:$0x3FBB] =	sst s0  }
0x18: {  	s0 =	sld [smem:$0x3F9E];
	_ =	swait.ge [sflag:s4], $0x0  }
0x19: {  	s7 =	sld [smem:$0x3F9F]  }
0x1a: {  	s8 =	sadd.s32 $0xFFFFE003, lr  }
0x1b: {  	s9 =	sadd.s32 $0xFFFFFEF7, lr;
	s5 =	simm.s32 $0xFFFFFFFF;
	p2 =	slt.u32 s8, $0xFFFFF086  }
0x1c: {  	p1 =	slt.u32 s9, $0xF7A;
	s5 =	simm.s32 @!p2 $0x0  }
0x1d: {  	s5 =	simm.s32 @p1 $0x1;
	p0 =	seq.s32 s7, s2  }
0x1e: {  	s7 =	smul.u32 @!p0 $0xF7A, s2;
	p2 =	seq.s32 @!p0 s5, $0x0  }
0x1f: {  	s9 =	smul.u32 $0xF7A, s1;
	s8 =	simm.s32 @!p0 $0x1BF5;
	p2 =	por !p2, p0  }
0x20: {  	[sflag:s8] =	ssyncset.s32 @!p0 $0xFFFFF086;
	s6 =	sadd.s32 @!p0 s3, s7;
	s7 =	simm.s32 @!p0 $0x108  }
0x21: {  	s3 =	sadd.s32 s3, s9;
	s6 =	sadd.s32 @!p0 $0x88, s6;
	s7 =	simm.s32 @p2 $0x1082  }
0x22: {  	[simem:s7], [sflag:s8] =	dma.local @!p0 [hbm:s6], $0xF7A  }
0x23: {  	s9 =	sor.u32 $0xD0000000, s2;
	s6 =	simm.s32 $0x108;
	_ =	swait.ge @!p0 [sflag:s8], $0x0  }
0x24: {  	s3 =	sadd.s32 $0x88, s3;
	s6 =	simm.s32 @!p1 $0x1082;
	[sflag:s4] =	ssyncset.s32 $0xFFFFF086  }
0x25: {  	[simem:s6], [sflag:s4] =	dma.local [hbm:s3], $0xF7A  }
0x26: {  	[smem:$0x3F9F] =	sst s1;
	(tag) =	ssettag s2;
	_ =	strace s9  }
0x27: {  	s1 =	sld [smem:$0x3FAF]  }
0x28: {  	s2 =	sld [smem:$0x3FB0]  }
0x29: {  	s4 =	sld [smem:$0x3FB2]  }
0x2a: {  	p0 =	seq.s32 s5, $0x0;
	s5 =	sld [smem:$0x3FB3]  }
0x2b: {  	s6 =	sld [smem:$0x3FB4]  }
0x2c: {  	s7 =	sld [smem:$0x3FB5]  }
0x2d: {  	s3 =	simm.s32 $0x108;
	s8 =	sld [smem:$0x3FB6]  }
0x2e: {  	s3 =	simm.s32 @!p0 $0x1082;
	s9 =	sld [smem:$0x3FB7]  }
0x2f: {  	lr =	sadd.s32 s0, s3;
	s0 =	sld [smem:$0x3FAE]  }
0x30: {  	s3 =	sld [smem:$0x3FB1]  }
0x31: {  	[smem:$0x3FBA] =	sst s10  }
0x32: {  	s10 =	sld [smem:$0x3FB8];
	_ =	sdelay $0x3  }
0x33: {  	p0 =	seq.s32 s10, $0x1;
	s10 =	sld [smem:$0x3FBA];
	_ =	sdelay $0x3  }
0x34: {  	[smem:$0x3FBA] =	sst s10  }
0x35: {  	s10 =	sld [smem:$0x3FB9];
	_ =	sdelay $0x3  }
0x36: {  	p1 =	seq.s32 s10, $0x1;
	s10 =	sld [smem:$0x3FBA];
	_ =	sdelay $0x3  }
0x37: {  	[smem:$0x3FBA] =	sst s10  }
0x38: {  	s10 =	sld [smem:$0x3FBB]  }
0x39: {  	_ = 	snop;
	(pc) =	sbr.ind lr, $3  }
0x3a: {  	_ = 	snop  }
0x3b: {  	_ = 	snop  }
0x3c: {  	p2 =	seq.s32 s10, $0x1;
	s10 =	sld [smem:$0x3FBA]  }
0x3d: {  	_ =	shalt  }
0x3e: {  	_ =	shalt  }
0x3f: {  	_ =	shalt  }
0x40: {  	_ =	shalt  }
0x41: {  	_ =	shalt  }
0x42: {  	_ =	shalt  }
0x43: {  	_ =	shalt  }
0x44: {  	_ =	shalt  }
0x45: {  	_ =	shalt  }
0x46: {  	_ =	shalt  }
0x47: {  	_ =	shalt  }
0x48: {  	_ =	shalt  }
0x49: {  	_ =	shalt  }
0x4a: {  	_ =	shalt  }
0x4b: {  	_ =	shalt  }
0x4c: {  	_ =	shalt  }
0x4d: {  	_ =	shalt  }
0x4e: {  	_ =	shalt  }
0x4f: {  	_ =	shalt  }
0x50: {  	_ =	shalt  }
0x51: {  	_ =	shalt  }
0x52: {  	_ =	shalt  }
0x53: {  	_ =	shalt  }
0x54: {  	_ =	shalt  }
0x55: {  	_ =	shalt  }
0x56: {  	_ =	shalt  }
0x57: {  	_ =	shalt  }
0x58: {  	_ =	shalt  }
0x59: {  	_ =	shalt  }
0x5a: {  	_ =	shalt  }
0x5b: {  	_ =	shalt  }
0x5c: {  	_ =	shalt  }
0x5d: {  	_ =	shalt  }
0x5e: {  	_ =	shalt  }
0x5f: {  	_ =	shalt  }
0x60: {  	_ =	shalt  }
0x61: {  	_ =	shalt  }
0x62: {  	_ =	shalt  }
0x63: {  	_ =	shalt  }
0x64: {  	_ =	shalt  }
0x65: {  	_ =	shalt  }
0x66: {  	_ =	shalt  }
0x67: {  	_ =	shalt  }
0x68: {  	_ =	shalt  }
0x69: {  	_ =	shalt  }
0x6a: {  	_ =	shalt  }
0x6b: {  	_ =	shalt  }
0x6c: {  	_ =	shalt  }
0x6d: {  	_ =	shalt  }
0x6e: {  	_ =	shalt  }
0x6f: {  	_ =	shalt  }
0x70: {  	_ =	shalt  }
0x71: {  	_ =	shalt  }
0x72: {  	_ =	shalt  }
0x73: {  	_ =	shalt  }
0x74: {  	_ =	shalt  }
0x75: {  	_ =	shalt  }
0x76: {  	_ =	shalt  }
0x77: {  	_ =	shalt  }
0x78: {  	_ =	shalt  }
0x79: {  	_ =	shalt  }
0x7a: {  	_ =	shalt  }
0x7b: {  	_ =	shalt  }
0x7c: {  	_ =	shalt  }
0x7d: {  	_ =	shalt  }
0x7e: {  	_ =	shalt  }
0x7f: {  	_ =	shalt  }
0x80: {  	_ =	shalt  }
0x81: {  	_ =	shalt  }
0x82: {  	_ =	shalt  }
0x83: {  	_ =	shalt  }
0x84: {  	_ =	shalt  }
0x85: {  	_ =	shalt  }
0x86: {  	_ =	shalt  }
0x87: {  	_ =	shalt  }
.Lfunc_end0:
.L_simem_size_0:
called_computation_lowered:
.L_overlay_start_0:
0x88: {  	s2 =	sld [smem:$0x3FD9]  }
0x89: {  	s3 =	sld [smem:$0x3FFE];
	_ =	sdelay $0x1  }
0x8a: {  	s1 =	srdreg.scid  }
0x8b: {  	s0 =	sand.u32 $0x1, s1  }
0x8c: {  	s18 =	sshll.u32 s0, $0xA;
	s2 =	sadd.s32 s3, s2  }
0x8d: {  	s2 =	sadd.s32 s2, s18  }
0x8e: {  	[smem:$0x3FC6] =	sst s2  }
0x8f: {  	_ = 	snop  }
0x90: {  	s2 =	sld [smem:$0x3FC9]  }
0x91: {  	s19 =	sld [smem:$0x3FC8]  }
0x92: {  	s4 =	sld [smem:$0x3FD0];
	(tm) =	ssettm $0x1  }
0x93: {  	s5 =	sld [smem:$0x3FFB];
	_ =	sdelay $0x3  }
0x94: {  	_ =	strace s5  }
0x95: {  	s5 =	sld [smem:$0x3FFC];
	_ =	sdelay $0x3  }
0x96: {  	_ =	strace s5  }
0x97: {  	s5 =	sld [smem:$0x3FFD];
	_ =	sdelay $0x3  }
0x98: {  	_ =	strace s5  }
0x99: {  	_ =	strace $0x8FFFFFFF  }
0x9a: {  	s20 =	sld [smem:$0x3FDB];
	_ =	sdelay $0x1  }
0x9b: {  	s6 =	simm.s32 $_scs_section_size  }
0x9c: {  	s7 =	simm.s32 $_size__tile_overlayer_lowered;
	s8 =	simm.s32 $_tile_overlayer_lowered  }
0x9d: {  	s23 =	simm.s32 $0x1BFF;
	s22 =	sshll.u32 s8, $0x1;
	s5 =	sadd.s32 s6, s20  }
0x9e: {  	s9 =	simm.s32 $0x0;
	s21 =	sshll.u32 s7, $0x1;
	s7 =	sadd.s32 s22, s5  }
0x9f: {  	[timem:s9], [sflag:s23] =	dma.local [hbm:s7], s21  }
0xa0: {  	_ =	swait.ge [sflag:s23], s21  }
0xa1: {  	s6 =	ssub.s32 $0x0, s21;
	[sflag:s23] =	ssyncset.done $0x0  }
0xa2: {  	[sflag:s23] =	ssyncadd.s32 s6;
	_ =	sdelay $0x1  }
0xa3: {  	s24 =	simm.s32 $0x1B8B  }
0xa4: {  	_ =	swait.ge [sflag:s24], $0x1  }
0xa5: {  	[sflag:s24] =	ssyncset.done $0x0  }
0xa6: {  	s25 =	simm.s32 $0x1B8E;
	[sflag:s24] =	ssyncadd.s32 $0xFFFFFFFF  }
0xa7: {  	s26 =	simm.s32 $execute0_lowered;
	[smem:$0x3FD2] =	sst s25  }
0xa8: {  	s6 =	sshll.u32 s26, $0x1;
	_ =	strace $0x80000046;
	[dreg:$0x1] =	wrdreg $0xFFFFFFFF  }
0xa9: {  	s28 =	simm.s32 $_size_execute0_lowered;
	s5 =	sadd.s32 s5, s6;
	[dreg:$0x0] =	wrdreg $0x0  }
0xaa: {  	s6 =	sshll.u32 s28, $0x1;
	[dreg:$0x2] =	wrdreg s5  }
0xab: {  	[dreg:$0x3] =	wrdreg s6  }
0xac: {  	[dreg:$0x4] =	wrdreg $0xC0  }
0xad: {  	_ =	task [dreg:s9], $0x5FFFF  }
0xae: {  	[dreg:$0x1] =	wrdreg $0xFFFFFFFF  }
0xaf: {  	[dreg:$0x0] =	wrdreg $0x60  }
0xb0: {  	[dreg:$0x2] =	wrdreg s2  }
0xb1: {  	[dreg:$0x3] =	wrdreg s19  }
0xb2: {  	[dreg:$0x4] =	wrdreg s4  }
0xb3: {  	[dreg:$0x5] =	wrdreg $0x9  }
0xb4: {  	_ =	task.clear_ibuf [dreg:s9], $0x6FFFF;
	_ =	strace $0x90000046  }
0xb5: {  	s29 =	simm.s32 $0x9;
	_ =	strace $0x80000048  }
0xb6: {  	_ =	swait.ge [sflag:s29], $0x1  }
0xb7: {  	[sflag:s29] =	ssyncadd.s32 $0xFFFFFFFF  }
0xb8: {  	_ =	strace $0x90000048  }
0xb9: {  	_ =	sfence  }
0xba: {  	s30 =	sld [smem:$0x0];
	_ =	sdelay $0x2  }
0xbb: {  	s31 =	sshll.u32 s1, $0xD;
	s1 =	sshrl.u32 s1, $0x2  }
0xbc: {  	s3 =	sand.u32 $0x4000, s31;
	s1 =	sadd.s32 s1, s30  }
0xbd: {  	s0 =	sor.u32 s3, s0;
	s1 =	sshll.u32 s1, $0x11  }
0xbe: {  	s0 =	sor.u32 s1, s0  }
0xbf: {  	s0 =	sadd.s32 $0x8F2B, s0  }
0xc0: {  	[sflag:s0] =	ssyncadd.remote.s32 $0x1  }
0xc1: {  	_ =	sfence.sel $0xFFFF  }
0xc2: {  	[dreg:$0x0] =	wrdreg $0xFFFFFFFF;
	(pc) =	sbr.abs _section_cstart, $3  }
0xc3: {  	[dreg:$0x1] =	wrdreg $0xFFFFFFFF  }
0xc4: {  	_ =	task.clear_ibuf [dreg:s9], $0x2FFFF;
	_ =	strace $0x9FFFFFFF  }
0xc5: {  	(tm) =	ssettm $0x7FFFFFFF  }
tec
execute0_lowered:
.L_overlay_start_1:
0x0: {  	(tag) =	ssettag $0x1  }
0x1: {  	s4 =	rddreg [dreg:$0x0]  }
0x2: {  	s2 =	rddreg [dreg:$0x1]  }
0x3: {  	s5 =	rddreg [dreg:$0x2];
	s6 =	srdreg.scid  }
0x4: {  	s0 =	stileid.u32;
	s3 =	simm.s32 $0x0;
	s10 =	simm.s32 $0x8080  }
0x5: {  	s11 =	simm.s32 $0x1;
	s12 =	simm.s32 $0x10080;
	s13 =	simm.s32 $0x12080  }
0x6: {  	s14 =	simm.s32 $0x2;
	s6 =	sand.u32 $0x1, s6;
	s7 =	sshll.u32 s0, $0x1  }
0x7: {  	s15 =	simm.s32 $0x0;
	[smem:$0x7FF] =	sst s3;
	s7 =	sor.u32 s6, s7  }
0x8: {  	_ =	strace $0x80000047;
	s6 =	ssub.s32 $0x2, s6;
	s8 =	sshll.u32 s7, $0xF  }
0x9: {  	s9 =	sshrl.u32 s6, $0x1;
	s7 =	sshll.u32 s7, $0xD;
	s4 =	sadd.s32 s4, s8  }
0xa: {  	s31 =	ssub.s32 s6, s9;
	s5 =	sadd.s32 s5, s7;
	s8 =	simm.s32 $0x3  }
0xb: {  	s9 =	simm.s32 $0x80;
	s6 =	sadd.s32 $0x2000, s4;
	s7 =	smax.u32 s31, $0x1  }
.LBB2_1:
0xc: {  	[tilespmem:s3], [sflag:$0x3] =	stream.linear.gather [hbm4b:s2+s3], $0x80, $0x38;
	[tilespmem:$0x14080] =	vst v63  }
0xd: {  	_ =	swait.ge [sflag:s8], $0x80  }
0xe: {  	[sflag:s8] =	ssyncset.done $0x0  }
0xf: {  	[sflag:s8] =	ssyncadd.s32 $0xFFFFFF80  }
0x10: {  	v0 =	vld [tilespmem:$0x0]  }
0x11: {  	v2 =	vld [tilespmem:$0x10]  }
0x12: {  	v4 =	vld [tilespmem:$0x20]  }
0x13: {  	v5 =	vld [tilespmem:$0x30]  }
0x14: {  	v8 =	vld [tilespmem:$0x40]  }
0x15: {  	v10 =	vld [tilespmem:$0x50]  }
0x16: {  	v11 =	vld [tilespmem:$0x60]  }
0x17: {  	v12 =	vld [tilespmem:$0x70]  }
0x18: {  	v1 =	vshll.u32 v0, $0x3;
	v0 =	vand.u32 $0x7F, v0  }
0x19: {  	v3 =	vshll.u32 v2, $0x3;
	v2 =	vand.u32 $0x7F, v2;
	v6 =	vshll.u32 v4, $0x3  }
0x1a: {  	v7 =	vshll.u32 v5, $0x3;
	v4 =	vand.u32 $0x7F, v4;
	v5 =	vand.u32 $0x7F, v5  }
0x1b: {  	v9 =	vshll.u32 v8, $0x3;
	v8 =	vand.u32 $0x7F, v8;
	v13 =	vshll.u32 v10, $0x3  }
0x1c: {  	v14 =	vshll.u32 v11, $0x3;
	v10 =	vand.u32 $0x7F, v10;
	v15 =	vshll.u32 v12, $0x3  }
0x1d: {  	v11 =	vand.u32 $0x7F, v11;
	v12 =	vand.u32 $0x7F, v12;
	v1 =	vand.u32 $0xFFFFFC00, v1  }
0x1e: {  	v3 =	vand.u32 $0xFFFFFC00, v3;
	v6 =	vand.u32 $0xFFFFFC00, v6;
	v7 =	vand.u32 $0xFFFFFC00, v7  }
0x1f: {  	v9 =	vand.u32 $0xFFFFFC00, v9;
	v13 =	vand.u32 $0xFFFFFC00, v13;
	v14 =	vand.u32 $0xFFFFFC00, v14  }
0x20: {  	v15 =	vand.u32 $0xFFFFFC00, v15;
	v1 =	vor.u32 v0, v1;
	v3 =	vor.u32 v2, v3  }
0x21: {  	s16 =	simm.s32 $0x0;
	v6 =	vor.u32 v4, v6;
	v7 =	vor.u32 v5, v7;
	v9 =	vor.u32 v8, v9  }
0x22: {  	[tilespmem:s9], [sflag:$0x1] =	stream.linear.gather [hbm4b:s4+s3], $0x8000, $0x38;
	v13 =	vor.u32 v10, v13;
	v14 =	vor.u32 v11, v14;
	v15 =	vor.u32 v12, v15;
	[tilespmem:$0x14080] =	vst v63  }
.LBB2_2:
0x23: {  	s17 =	sshllo.u32 s16, $0x1;
	s18 =	simm.s32 $0x0;
	s19 =	simm.s32 $0x80  }
0x24: {  	s20 =	sshll.u32 s17, $0xC;
	s21 =	sand.u32 $0x7000, s18;
	s19 =	sand.u32 $0x380, s19  }
0x25: {  	s20 =	sadd.s32 s20, s4;
	s26 =	sor.u32 s21, s19  }
0x26: {  	[tilespmem:s10], [sflag:$0x1] =	stream.linear.gather [hbm4b:s20+s3], $0x8000, $0x38;
	v16 =	vadd.s32 s26, v1;
	[tilespmem:$0x14080] =	vst v63  }
0x27: {  	_ =	swait.ge [sflag:s11], $0x8000;
	v16 =	vand.u32 $0xFFFFFF80, v16  }
0x28: {  	p0 =	seq.s32 s16, $0x0;
	s18 =	sand.u32 $0x300, s18;
	[sflag:s11] =	ssyncset.done $0x0;
	v16 =	vor.u32 v0, v16  }
0x29: {  	s0 =	sor.u32 s18, s21;
	s18 =	simm.s32 @!p0 $0x2;
	[sflag:s11] =	ssyncadd.s32 $0xFFFF8000  }
0x2a: {  	v17 =	vadd.s32 s0, v1;
	v18 =	vadd.s32 s0, v3;
	v19 =	vadd.s32 s0, v6;
	_ =	swait.ge @!p0 [sflag:s18], $0x2000  }
0x2b: {  	v20 =	vadd.s32 s26, v3;
	v21 =	vadd.s32 s0, v9;
	v17 =	vand.u32 $0xFFFFFF00, v17;
	[sflag:s18] =	ssyncset.done @!p0 $0x0  }
0x2c: {  	v24 =	vadd.s32 s0, v14;
	v30 =	vadd.s32 s26, v7;
	v17 =	vor.u32 v0, v17;
	[sflag:s18] =	ssyncadd.s32 @!p0 $0xFFFFE000  }
0x2d: {  	v35 =	vadd.s32 s26, v9;
	v19 =	vand.u32 $0xFFFFFF00, v19;
	v20 =	vand.u32 $0xFFFFFF80, v20;
	v16 =	vld.idx.msk [tilespmem:v16+s9+$0x0], $0xffff  }
0x2e: {  	v22 =	vor.u32 v4, v19;
	v19 =	vadd.s32 s0, v7;
	v20 =	vor.u32 v2, v20  }
0x2f: {  	s22 =	simm.s32 $0x400;
	v61 =	vadd.s32 s26, v13;
	v55 =	vadd.s32 s26, v15;
	v19 =	vand.u32 $0xFFFFFF00, v19  }
0x30: {  	s1 =	simm.s32 $0x100;
	s23 =	simm.s32 $0x180;
	s22 =	sand.u32 $0x7000, s22;
	v18 =	vand.u32 $0xFFFFFF00, v18;
	v23 =	vor.u32 v5, v19;
	v19 =	vadd.s32 s0, v13  }
0x31: {  	s21 =	sand.u32 $0x380, s23;
	s23 =	sand.u32 $0x300, s1;
	v21 =	vand.u32 $0xFFFFFF00, v21;
	v18 =	vor.u32 v2, v18;
	v19 =	vand.u32 $0xFFFFFF00, v19;
	s18 =	simm.s32 $0x0;
	v17 =	vld.idx.msk [tilespmem:v17+s9+$0x0], $0xffff  }
0x32: {  	s19 =	sor.u32 s22, s21;
	s22 =	sor.u32 s23, s22;
	v27 =	vor.u32 v10, v19;
	v19 =	vand.u32 $0xFFFFFF00, v24;
	v24 =	vadd.s32 s26, v6;
	[tilespmem:s18+$0x10100] =	vst v16  }
0x33: {  	v25 =	vadd.s32 s19, v1;
	v29 =	vadd.s32 s22, v6;
	v24 =	vand.u32 $0xFFFFFF80, v24;
	v20 =	vld.idx.msk [tilespmem:v20+s9+$0x0], $0xffff  }
0x34: {  	v24 =	vor.u32 v4, v24;
	v16 =	vor.u32 v11, v19;
	v19 =	vadd.s32 s0, v15  }
0x35: {  	v25 =	vand.u32 $0xFFFFFF80, v25;
	v26 =	vand.u32 $0xFFFFFF00, v19;
	v19 =	vadd.s32 s22, v1  }
0x36: {  	v32 =	vadd.s32 s22, v9;
	v25 =	vor.u32 v0, v25;
	[tilespmem:s18+$0x10080] =	vst v17;
	v19 =	vand.u32 $0xFFFFFF00, v19  }
0x37: {  	v36 =	vadd.s32 s22, v15;
	v57 =	vld.idx.msk [tilespmem:v18+s9+$0x0], $0xffff;
	v28 =	vor.u32 v0, v19;
	v19 =	vadd.s32 s22, v3  }
0x38: {  	s24 =	simm.s32 $0x200;
	s30 =	simm.s32 $0x800;
	v62 =	vadd.s32 s19, v7;
	v48 =	vadd.s32 s19, v9;
	v19 =	vand.u32 $0xFFFFFF00, v19;
	[tilespmem:s18+$0x10110] =	vst v20  }
0x39: {  	s24 =	sand.u32 $0x300, s24;
	s23 =	sand.u32 $0x7000, s30;
	v31 =	vor.u32 v2, v19;
	v19 =	vand.u32 $0xFFFFFF00, v29;
	v29 =	vand.u32 $0xFFFFFF80, v30;
	v24 =	vld.idx.msk [tilespmem:v24+s9+$0x0], $0xffff  }
0x3a: {  	s24 =	sor.u32 s24, s23;
	v21 =	vor.u32 v8, v21;
	v32 =	vand.u32 $0xFFFFFF00, v32;
	v29 =	vor.u32 v5, v29  }
0x3b: {  	v58 =	vadd.s32 s24, v1;
	v25 =	vld.idx.msk [tilespmem:v25+s9+$0x0], $0xffff;
	v30 =	vor.u32 v4, v19;
	v19 =	vadd.s32 s19, v3  }
0x3c: {  	v37 =	vadd.s32 s24, v3;
	v38 =	vadd.s32 s24, v6;
	[tilespmem:s18+$0x10090] =	vst v57;
	v19 =	vand.u32 $0xFFFFFF80, v19  }
0x3d: {  	s25 =	simm.s32 $0x280;
	v43 =	vadd.s32 s24, v9;
	v17 =	vadd.s32 s22, v13;
	v22 =	vld.idx.msk [tilespmem:v22+s9+$0x0], $0xffff;
	v33 =	vor.u32 v2, v19  }
0x3e: {  	s21 =	sand.u32 $0x380, s25;
	v46 =	vadd.s32 s24, v13;
	v18 =	vadd.s32 s22, v14;
	v17 =	vand.u32 $0xFFFFFF00, v17;
	[tilespmem:s18+$0x10120] =	vst v24  }
0x3f: {  	s20 =	simm.s32 $0x100;
	s21 =	sor.u32 s23, s21;
	v19 =	vor.u32 v10, v17;
	v17 =	vand.u32 $0xFFFFFF00, v18;
	v18 =	vand.u32 $0xFFFFFF80, v35;
	v29 =	vld.idx.msk [tilespmem:v29+s9+$0x0], $0xffff  }
0x40: {  	[tilespmem:s20+$0x10100] =	vst v25;
	v25 =	vadd.s32 s21, v1;
	v35 =	vor.u32 v8, v18;
	v18 =	vor.u32 v12, v26;
	v26 =	vld.idx.msk [tilespmem:v28+s9+$0x0], $0xffff  }
0x41: {  	v47 =	vadd.s32 s24, v14;
	v25 =	vand.u32 $0xFFFFFF80, v25;
	v24 =	vadd.s32 s19, v6  }
0x42: {  	v49 =	vand.u32 $0xFFFFFF80, v48;
	v25 =	vor.u32 v0, v25;
	[tilespmem:s18+$0x100A0] =	vst v22;
	v24 =	vand.u32 $0xFFFFFF80, v24;
	v59 =	vld.idx.msk [tilespmem:v33+s9+$0x0], $0xffff  }
0x43: {  	v50 =	vadd.s32 s21, v6;
	v20 =	vadd.s32 s22, v7;
	v44 =	vld.idx.msk [tilespmem:v23+s9+$0x0], $0xffff;
	v24 =	vor.u32 v4, v24  }
0x44: {  	v60 =	vand.u32 $0xFFFFFF00, v58;
	v20 =	vand.u32 $0xFFFFFF00, v20;
	v28 =	vand.u32 $0xFFFFFF00, v36;
	[tilespmem:s18+$0x10130] =	vst v29  }
0x45: {  	v36 =	vand.u32 $0xFFFFFF80, v61;
	v33 =	vor.u32 v0, v60;
	[tilespmem:s20+$0x10080] =	vst v26;
	v26 =	vand.u32 $0xFFFFFF00, v38;
	v35 =	vld.idx.msk [tilespmem:v35+s9+$0x0], $0xffff  }
0x46: {  	v36 =	vor.u32 v10, v36;
	v31 =	vld.idx.msk [tilespmem:v31+s9+$0x0], $0xffff;
	v40 =	vor.u32 v4, v26;
	v26 =	vadd.s32 s21, v3  }
0x47: {  	s31 =	simm.s32 $0x380;
	s25 =	simm.s32 $0xC00;
	v52 =	vadd.s32 s24, v15;
	v34 =	vor.u32 v5, v20;
	v39 =	vld.idx.msk [tilespmem:v25+s9+$0x0], $0xffff;
	v26 =	vand.u32 $0xFFFFFF80, v26;
	[tilespmem:s20+$0x10110] =	vst v59  }
0x48: {  	s29 =	sand.u32 $0x7000, s25;
	s23 =	sand.u32 $0x380, s31;
	v29 =	vand.u32 $0xFFFFFF00, v37;
	v37 =	vand.u32 $0xFFFFFF80, v62;
	[tilespmem:s18+$0x100B0] =	vst v44;
	v22 =	vld.idx.msk [tilespmem:v24+s9+$0x0], $0xffff;
	v24 =	vadd.s32 s24, v7  }
0x49: {  	s23 =	sor.u32 s29, s23;
	v63 =	vor.u32 v5, v37;
	v51 =	vld.idx.msk [tilespmem:v21+s9+$0x0], $0xffff;
	v23 =	vand.u32 $0xFFFFFF00, v24;
	v24 =	vand.u32 $0xFFFFFF00, v43  }
0x4a: {  	v53 =	vadd.s32 s23, v1;
	v45 =	vor.u32 v2, v26;
	v26 =	vor.u32 v8, v24;
	v24 =	vld.idx.msk [tilespmem:v33+s9+$0x0], $0xffff;
	[tilespmem:s18+$0x10140] =	vst v35  }
0x4b: {  	s22 =	simm.s32 $0x200;
	v20 =	vor.u32 v8, v32;
	[tilespmem:s20+$0x10090] =	vst v31;
	v25 =	vor.u32 v5, v23;
	v23 =	vadd.s32 s26, v14;
	v31 =	vld.idx.msk [tilespmem:v36+s9+$0x0], $0xffff  }
0x4c: {  	v17 =	vor.u32 v11, v17;
	[tilespmem:s22+$0x10100] =	vst v39;
	v29 =	vor.u32 v2, v29;
	v23 =	vand.u32 $0xFFFFFF80, v23  }
0x4d: {  	s28 =	simm.s32 $0x300;
	v62 =	vadd.s32 s19, v14;
	v37 =	vand.u32 $0xFFFFFF80, v55;
	v30 =	vld.idx.msk [tilespmem:v30+s9+$0x0], $0xffff;
	v41 =	vor.u32 v11, v23;
	[tilespmem:s20+$0x10120] =	vst v22  }
0x4e: {  	s28 =	sand.u32 $0x300, s28;
	v21 =	vor.u32 v12, v28;
	v57 =	vor.u32 v12, v37;
	v33 =	vand.u32 $0xFFFFFF00, v46;
	[tilespmem:s18+$0x100C0] =	vst v51;
	v32 =	vld.idx.msk [tilespmem:v63+s9+$0x0], $0xffff  }
0x4f: {  	s24 =	sor.u32 s28, s29;
	v28 =	vld.idx.msk [tilespmem:v45+s9+$0x0], $0xffff;
	v23 =	vor.u32 v10, v33;
	v33 =	vor.u32 v8, v49;
	v35 =	vand.u32 $0xFFFFFF80, v50;
	[tilespmem:s22+$0x10080] =	vst v24  }
0x50: {  	v58 =	vadd.s32 s24, v3;
	v35 =	vor.u32 v4, v35;
	v60 =	vld.idx.msk [tilespmem:v27+s9+$0x0], $0xffff;
	[tilespmem:s18+$0x10150] =	vst v31;
	v31 =	vand.u32 $0xFFFFFF80, v53  }
0x51: {  	v22 =	vand.u32 $0xFFFFFF00, v47;
	v54 =	vld.idx.msk [tilespmem:v29+s9+$0x0], $0xffff;
	v29 =	vadd.s32 s24, v1;
	v31 =	vor.u32 v0, v31  }
0x52: {  	v59 =	vadd.s32 s24, v6;
	v22 =	vor.u32 v11, v22;
	[tilespmem:s20+$0x100A0] =	vst v30;
	v29 =	vand.u32 $0xFFFFFF00, v29;
	v30 =	vld.idx.msk [tilespmem:v41+s9+$0x0], $0xffff  }
0x53: {  	v27 =	vand.u32 $0xFFFFFF00, v58;
	v34 =	vld.idx.msk [tilespmem:v34+s9+$0x0], $0xffff;
	v56 =	vor.u32 v0, v29;
	v29 =	vadd.s32 s19, v13;
	[tilespmem:s20+$0x10130] =	vst v32  }
0x54: {  	v63 =	vadd.s32 s24, v13;
	[tilespmem:s22+$0x10110] =	vst v28;
	v28 =	vadd.s32 s21, v7;
	v29 =	vand.u32 $0xFFFFFF80, v29;
	v33 =	vld.idx.msk [tilespmem:v33+s9+$0x0], $0xffff  }
0x55: {  	v24 =	vand.u32 $0xFFFFFF00, v52;
	v28 =	vand.u32 $0xFFFFFF80, v28;
	v35 =	vld.idx.msk [tilespmem:v35+s9+$0x0], $0xffff;
	[tilespmem:s18+$0x100D0] =	vst v60;
	v61 =	vor.u32 v10, v29  }
0x56: {  	v42 =	vor.u32 v5, v28;
	v28 =	vadd.s32 s24, v7;
	[tilespmem:s22+$0x10090] =	vst v54;
	v37 =	vld.idx.msk [tilespmem:v31+s9+$0x0], $0xffff;
	v31 =	vadd.s32 s23, v3  }
0x57: {  	v28 =	vand.u32 $0xFFFFFF00, v28;
	v29 =	vor.u32 v2, v27;
	v36 =	vld.idx.msk [tilespmem:v40+s9+$0x0], $0xffff;
	[tilespmem:s18+$0x10160] =	vst v30;
	v31 =	vand.u32 $0xFFFFFF80, v31  }
0x58: {  	v27 =	vand.u32 $0xFFFFFF00, v59;
	v41 =	vadd.s32 s21, v9;
	[tilespmem:s20+$0x100B0] =	vst v34;
	v32 =	vld.idx.msk [tilespmem:v57+s9+$0x0], $0xffff;
	v39 =	vor.u32 v2, v31  }
0x59: {  	v27 =	vor.u32 v4, v27;
	v40 =	vand.u32 $0xFFFFFF00, v63;
	v38 =	vld.idx.msk [tilespmem:v56+s9+$0x0], $0xffff;
	v30 =	vadd.s32 s24, v9;
	[tilespmem:s20+$0x10140] =	vst v33  }
0x5a: {  	[tilespmem:s22+$0x10120] =	vst v35;
	v35 =	vadd.s32 s24, v14;
	v33 =	vand.u32 $0xFFFFFF80, v62;
	v43 =	vand.u32 $0xFFFFFF00, v30;
	v31 =	vld.idx.msk [tilespmem:v61+s9+$0x0], $0xffff  }
0x5b: {  	s28 =	simm.s32 $0x6;
	s29 =	simm.s32 $0x400;
	s26 =	simm.s32 $0x300;
	v34 =	vld.idx.msk [tilespmem:v42+s9+$0x0], $0xffff;
	v30 =	vor.u32 v5, v28;
	v33 =	vor.u32 v11, v33;
	v28 =	vor.u32 v8, v43  }
.LBB2_3:
0x5c: {  	s30 =	sadd.s32 $0x80, s29;
	s28 =	sadd.s32 $0x2, s28;
	v40 =	vor.u32 v10, v40;
	v35 =	vand.u32 $0xFFFFFF00, v35;
	[tilespmem:s26+$0x10100] =	vst v37;
	s25 =	sadd.s32 $0x400, s25;
	v37 =	vand.u32 $0xFFFFFF80, v41;
	v41 =	vld.idx.msk [tilespmem:v20+s9+$0x0], $0xffff;
	v20 =	vmovc v26  }
0x5d: {  	s31 =	sand.u32 $0x7000, s25;
	s30 =	sand.u32 $0x380, s30;
	p1 =	slt.u32 s28, $0x3E;
	v26 =	vor.u32 v11, v35;
	v35 =	vld.idx.msk [tilespmem:v39+s9+$0x0], $0xffff;
	v39 =	vadd.s32 s23, v6;
	v37 =	vor.u32 v8, v37;
	[tilespmem:s18+$0x10170] =	vst v32  }
0x5e: {  	s0 =	sand.u32 $0x300, s29;
	v32 =	vadd.s32 s24, v15;
	s1 =	sor.u32 s31, s30;
	[tilespmem:s26+$0x10080] =	vst v38;
	v38 =	vand.u32 $0xFFFFFF80, v39;
	v39 =	vor.u32 v12, v24;
	v42 =	vld.idx.msk [tilespmem:v16+s9+$0x0], $0xffff;
	v16 =	vmovc v17;
	s30 =	smov.u32 s20  }
0x5f: {  	s24 =	sor.u32 s0, s31;
	v24 =	vand.u32 $0xFFFFFF00, v32;
	v17 =	vmovc v22;
	s20 =	smov.u32 s22;
	s22 =	smov.u32 s26;
	v43 =	vadd.s32 s1, v1;
	v44 =	vld.idx.msk [tilespmem:v29+s9+$0x0], $0xffff;
	v29 =	vor.u32 v4, v38;
	[tilespmem:s30+$0x10150] =	vst v31  }
0x60: {  	v22 =	vmovc v26;
	v31 =	vadd.s32 s24, v1;
	v32 =	vand.u32 $0xFFFFFF80, v43;
	[tilespmem:s20+$0x100A0] =	vst v36;
	v33 =	vld.idx.msk [tilespmem:v33+s9+$0x0], $0xffff;
	v36 =	vadd.s32 s19, v15;
	v26 =	vmovc v28;
	s19 =	smov.u32 s21;
	s21 =	smov.u32 s23;
	s23 =	smov.u32 s1  }
0x61: {  	v28 =	vand.u32 $0xFFFFFF00, v31;
	v31 =	vor.u32 v0, v32;
	v32 =	vld.idx.msk [tilespmem:v25+s9+$0x0], $0xffff;
	[tilespmem:s20+$0x10130] =	vst v34;
	v34 =	vand.u32 $0xFFFFFF80, v36;
	v25 =	vmovc v30  }
0x62: {  	v28 =	vor.u32 v0, v28;
	v36 =	vadd.s32 s19, v13;
	v30 =	vld.idx.msk [tilespmem:v37+s9+$0x0], $0xffff;
	[tilespmem:s30+$0x100C0] =	vst v41;
	v34 =	vor.u32 v12, v34  }
0x63: {  	v38 =	vadd.s32 s24, v6;
	v37 =	vadd.s32 s24, v3;
	[tilespmem:s22+$0x10110] =	vst v35;
	v35 =	vand.u32 $0xFFFFFF80, v36;
	v36 =	vld.idx.msk [tilespmem:v19+s9+$0x0], $0xffff;
	v19 =	vmovc v23;
	v23 =	vmovc v40  }
0x64: {  	v41 =	vadd.s32 s21, v7;
	v37 =	vand.u32 $0xFFFFFF00, v37;
	v40 =	vld.idx.msk [tilespmem:v29+s9+$0x0], $0xffff;
	v35 =	vor.u32 v10, v35;
	[tilespmem:s18+$0x100E0] =	vst v42  }
0x65: {  	v29 =	vor.u32 v2, v37;
	v37 =	vand.u32 $0xFFFFFF00, v38;
	v38 =	vand.u32 $0xFFFFFF80, v41;
	[tilespmem:s22+$0x10090] =	vst v44;
	v42 =	vld.idx.msk [tilespmem:v18+s9+$0x0], $0xffff;
	v18 =	vmovc v21  }
0x66: {  	v45 =	vadd.s32 s23, v3;
	v41 =	vor.u32 v4, v37;
	v43 =	vor.u32 v5, v38;
	v37 =	vld.idx.msk [tilespmem:v31+s9+$0x0], $0xffff;
	[tilespmem:s30+$0x10160] =	vst v33  }
.Ltmp0:
0x67: {  	v44 =	vand.u32 $0xFFFFFF80, v45;
	v21 =	vmovc v39;
	v31 =	vadd.s32 s24, v7;
	v33 =	vadd.s32 s24, v9;
	[tilespmem:s20+$0x100B0] =	vst v32;
	v32 =	vld.idx.msk [tilespmem:v34+s9+$0x0], $0xffff;
	(pc) =	sbr.rel @p1 .LBB2_3-.Ltmp0, $4  }
0x68: {  	v39 =	vor.u32 v2, v44;
	v38 =	vld.idx.msk [tilespmem:v28+s9+$0x0], $0xffff;
	v28 =	vand.u32 $0xFFFFFF00, v31;
	v31 =	vand.u32 $0xFFFFFF00, v33;
	[tilespmem:s20+$0x10140] =	vst v30  }
0x69: {  	v33 =	vadd.s32 s19, v14;
	v30 =	vor.u32 v5, v28;
	v28 =	vor.u32 v8, v31;
	v31 =	vld.idx.msk [tilespmem:v35+s9+$0x0], $0xffff;
	[tilespmem:s30+$0x100D0] =	vst v36  }
0x6a: {  	v34 =	vadd.s32 s24, v13;
	v35 =	vadd.s32 s24, v14;
	v33 =	vand.u32 $0xFFFFFF80, v33;
	v36 =	vld.idx.msk [tilespmem:v27+s9+$0x0], $0xffff;
	[tilespmem:s22+$0x10120] =	vst v40;
	v27 =	vmovc v41  }
0x6b: {  	s29 =	sadd.s32 $0x100, s29;
	s26 =	sshra.s32 s25, $0x2;
	v40 =	vand.u32 $0xFFFFFF00, v34;
	v41 =	vadd.s32 s21, v9;
	v33 =	vor.u32 v11, v33;
	v34 =	vld.idx.msk [tilespmem:v43+s9+$0x0], $0xffff;
	[tilespmem:s18+$0x100F0] =	vst v42;
	s18 =	smov.u32 s30  }
0x6c: {  	_ =	sdelay $0x2  }
0x6d: {  	[tilespmem:s26+$0x10100] =	vst v37;
	v42 =	vadd.s32 s23, v6  }
0x6e: {  	v39 =	vld.idx.msk [tilespmem:v39+s9+$0x0], $0xffff;
	[tilespmem:s26+$0x10080] =	vst v38;
	v37 =	vand.u32 $0xFFFFFF80, v42  }
0x6f: {  	v29 =	vld.idx.msk [tilespmem:v29+s9+$0x0], $0xffff;
	v37 =	vor.u32 v4, v37;
	_ =	sdelay $0x3  }
0x70: {  	v43 =	vadd.s32 s23, v7;
	[tilespmem:s26+$0x10110] =	vst v39  }
0x71: {  	v37 =	vld.idx.msk [tilespmem:v37+s9+$0x0], $0xffff;
	[tilespmem:s26+$0x10090] =	vst v29;
	v29 =	vand.u32 $0xFFFFFF80, v43  }
0x72: {  	v29 =	vor.u32 v5, v29;
	v27 =	vld.idx.msk [tilespmem:v27+s9+$0x0], $0xffff;
	_ =	sdelay $0x2  }
0x73: {  	v44 =	vand.u32 $0xFFFFFF80, v41;
	[tilespmem:s22+$0x100A0] =	vst v36  }
0x74: {  	v46 =	vadd.s32 s23, v9;
	v45 =	vor.u32 v8, v44;
	v25 =	vld.idx.msk [tilespmem:v25+s9+$0x0], $0xffff;
	[tilespmem:s26+$0x10120] =	vst v37  }
0x75: {  	v37 =	vand.u32 $0xFFFFFF80, v46;
	v29 =	vld.idx.msk [tilespmem:v29+s9+$0x0], $0xffff;
	[tilespmem:s26+$0x100A0] =	vst v27  }
0x76: {  	[tilespmem:s18+$0x10170] =	vst v32;
	v27 =	vor.u32 v8, v37;
	v30 =	vld.idx.msk [tilespmem:v30+s9+$0x0], $0xffff  }
0x77: {  	v20 =	vld.idx.msk [tilespmem:v20+s9+$0x0], $0xffff;
	[tilespmem:s20+$0x10150] =	vst v31  }
0x78: {  	v16 =	vld.idx.msk [tilespmem:v16+s9+$0x0], $0xffff;
	v31 =	vadd.s32 s21, v13;
	[tilespmem:s22+$0x10130] =	vst v34  }
0x79: {  	v31 =	vand.u32 $0xFFFFFF80, v31;
	v47 =	vld.idx.msk [tilespmem:v45+s9+$0x0], $0xffff;
	[tilespmem:s22+$0x100B0] =	vst v25  }
0x7a: {  	v25 =	vor.u32 v10, v31;
	v26 =	vld.idx.msk [tilespmem:v26+s9+$0x0], $0xffff;
	[tilespmem:s26+$0x10130] =	vst v29;
	v29 =	vadd.s32 s23, v13  }
0x7b: {  	v27 =	vld.idx.msk [tilespmem:v27+s9+$0x0], $0xffff;
	v29 =	vand.u32 $0xFFFFFF80, v29;
	[tilespmem:s26+$0x100B0] =	vst v30  }
0x7c: {  	[tilespmem:s20+$0x100C0] =	vst v20;
	v20 =	vor.u32 v10, v29;
	v28 =	vld.idx.msk [tilespmem:v28+s9+$0x0], $0xffff  }
0x7d: {  	[tilespmem:s18+$0x100E0] =	vst v16;
	v16 =	vld.idx.msk [tilespmem:v19+s9+$0x0], $0xffff;
	v29 =	vor.u32 v10, v40  }
0x7e: {  	v19 =	vadd.s32 s21, v14;
	v18 =	vld.idx.msk [tilespmem:v18+s9+$0x0], $0xffff;
	[tilespmem:s22+$0x10140] =	vst v47  }
0x7f: {  	v19 =	vand.u32 $0xFFFFFF80, v19;
	v25 =	vld.idx.msk [tilespmem:v25+s9+$0x0], $0xffff;
	[tilespmem:s22+$0x100C0] =	vst v26  }
0x80: {  	v19 =	vor.u32 v11, v19;
	v26 =	vadd.s32 s23, v14;
	v23 =	vld.idx.msk [tilespmem:v23+s9+$0x0], $0xffff;
	[tilespmem:s26+$0x10140] =	vst v27  }
0x81: {  	v26 =	vand.u32 $0xFFFFFF80, v26;
	v20 =	vld.idx.msk [tilespmem:v20+s9+$0x0], $0xffff;
	[tilespmem:s26+$0x100C0] =	vst v28  }
0x82: {  	[tilespmem:s20+$0x100D0] =	vst v16;
	v26 =	vor.u32 v11, v26;
	v27 =	vand.u32 $0xFFFFFF00, v35;
	v28 =	vadd.s32 s19, v15;
	v29 =	vld.idx.msk [tilespmem:v29+s9+$0x0], $0xffff  }
0x83: {  	[tilespmem:s18+$0x100F0] =	vst v18;
	v30 =	vld.idx.msk [tilespmem:v33+s9+$0x0], $0xffff;
	v27 =	vor.u32 v11, v27;
	v28 =	vand.u32 $0xFFFFFF80, v28  }
0x84: {  	v17 =	vld.idx.msk [tilespmem:v17+s9+$0x0], $0xffff;
	[tilespmem:s22+$0x10150] =	vst v25;
	v25 =	vadd.s32 s21, v15;
	v16 =	vor.u32 v12, v28  }
0x85: {  	v19 =	vld.idx.msk [tilespmem:v19+s9+$0x0], $0xffff;
	v25 =	vand.u32 $0xFFFFFF80, v25;
	[tilespmem:s22+$0x100D0] =	vst v23  }
0x86: {  	v23 =	vor.u32 v12, v25;
	v22 =	vld.idx.msk [tilespmem:v22+s9+$0x0], $0xffff;
	[tilespmem:s26+$0x10150] =	vst v20;
	v20 =	vadd.s32 s23, v15  }
0x87: {  	v24 =	vor.u32 v12, v24;
	v25 =	vadd.s32 s24, v15;
	v26 =	vld.idx.msk [tilespmem:v26+s9+$0x0], $0xffff;
	v20 =	vand.u32 $0xFFFFFF80, v20;
	[tilespmem:s26+$0x100D0] =	vst v29  }
0x88: {  	v25 =	vand.u32 $0xFFFFFF00, v25;
	[tilespmem:s20+$0x10160] =	vst v30;
	v18 =	vor.u32 v12, v20;
	v20 =	vld.idx.msk [tilespmem:v27+s9+$0x0], $0xffff  }
0x89: {  	[tilespmem:s20+$0x100E0] =	vst v17;
	v25 =	vor.u32 v12, v25;
	v16 =	vld.idx.msk [tilespmem:v16+s9+$0x0], $0xffff  }
0x8a: {  	v17 =	vld.idx.msk [tilespmem:v21+s9+$0x0], $0xffff;
	[tilespmem:s22+$0x10160] =	vst v19  }
0x8b: {  	v19 =	vld.idx.msk [tilespmem:v23+s9+$0x0], $0xffff;
	[tilespmem:s22+$0x100E0] =	vst v22  }
0x8c: {  	v21 =	vld.idx.msk [tilespmem:v24+s9+$0x0], $0xffff;
	[tilespmem:s26+$0x10160] =	vst v26  }
0x8d: {  	v18 =	vld.idx.msk [tilespmem:v18+s9+$0x0], $0xffff;
	[tilespmem:s26+$0x100E0] =	vst v20  }
0x8e: {  	[tilespmem:s20+$0x10170] =	vst v16;
	v16 =	vld.idx.msk [tilespmem:v25+s9+$0x0], $0xffff  }
0x8f: {  	[tilespmem:s20+$0x100F0] =	vst v17  }
0x90: {  	[tilespmem:s22+$0x10170] =	vst v19  }
0x91: {  	[tilespmem:s22+$0x100F0] =	vst v21  }
0x92: {  	s0 =	sshll.u32 s16, $0xB;
	p1 =	seq.s32 s16, $0x3;
	s1 =	simm.s32 $0x0;
	[tilespmem:s26+$0x10170] =	vst v18  }
0x93: {  	s30 =	simm.s32 $0x80;
	s0 =	sadd.s32 s0, s5;
	s31 =	sand.u32 $0x7000, s1;
	[tilespmem:s26+$0x100F0] =	vst v16  }
0x94: {  	[hbm4b:s0+s3] =	stream.linear.scatter [tilespmem:s12], [sflag:$0x2], $0x2000, $0x38;
	[tilespmem:$0x14080] =	vst v63  }
0x95: {  	s18 =	sand.u32 $0x380, s30;
	s21 =	simm.s32 @!p1 $0x80;
	s0 =	sshll.u32 @!p1 s16, $0xD  }
0x96: {  	s20 =	simm.s32 @!p1 $0x0;
	s26 =	sor.u32 s31, s18;
	s0 =	sadd.s32 @!p1 s0, s6  }
0x97: {  	v16 =	vadd.s32 s26, v1;
	[tilespmem:s21], [sflag:$0x1] =	stream.linear.gather @!p1 [hbm4b:s0+s20], $0x8000, $0x38;
	[tilespmem:$0x14080] =	vst v63  }
0x98: {  	v16 =	vand.u32 $0xFFFFFF80, v16;
	_ =	swait.ge [sflag:s11], $0x8000  }
0x99: {  	s22 =	sand.u32 $0x300, s1;
	v16 =	vor.u32 v0, v16;
	[sflag:s11] =	ssyncset.done $0x0  }
0x9a: {  	s1 =	simm.s32 @!p0 $0x2;
	s0 =	sor.u32 s22, s31;
	[sflag:s11] =	ssyncadd.s32 $0xFFFF8000  }
0x9b: {  	v20 =	vadd.s32 s26, v3;
	v30 =	vadd.s32 s26, v7;
	v17 =	vadd.s32 s0, v1;
	_ =	swait.ge @!p0 [sflag:s1], $0x2000  }
0x9c: {  	v51 =	vadd.s32 s26, v9;
	v56 =	vadd.s32 s26, v13;
	v17 =	vand.u32 $0xFFFFFF00, v17;
	[sflag:s1] =	ssyncset.done @!p0 $0x0  }
0x9d: {  	v20 =	vand.u32 $0xFFFFFF80, v20;
	v19 =	vadd.s32 s0, v6;
	v17 =	vor.u32 v0, v17;
	[sflag:s1] =	ssyncadd.s32 @!p0 $0xFFFFE000  }
0x9e: {  	v36 =	vand.u32 $0xFFFFFF80, v56;
	v20 =	vor.u32 v2, v20;
	v19 =	vand.u32 $0xFFFFFF00, v19;
	v16 =	vld.idx.msk [tilespmem:v16+s10+$0x0], $0xffff  }
0x9f: {  	v36 =	vor.u32 v10, v36;
	v22 =	vor.u32 v4, v19;
	v19 =	vadd.s32 s0, v7  }
0xa0: {  	v18 =	vadd.s32 s0, v3;
	v21 =	vadd.s32 s0, v9;
	v19 =	vand.u32 $0xFFFFFF00, v19  }
0xa1: {  	s25 =	simm.s32 $0x400;
	s24 =	simm.s32 $0x180;
	v18 =	vand.u32 $0xFFFFFF00, v18;
	v23 =	vor.u32 v5, v19;
	v19 =	vadd.s32 s0, v13  }
0xa2: {  	s19 =	sand.u32 $0x380, s24;
	s18 =	simm.s32 $0x0;
	s20 =	sand.u32 $0x7000, s25;
	v24 =	vadd.s32 s0, v14;
	v18 =	vor.u32 v2, v18;
	v19 =	vand.u32 $0xFFFFFF00, v19;
	v17 =	vld.idx.msk [tilespmem:v17+s10+$0x0], $0xffff  }
0xa3: {  	s23 =	simm.s32 $0x100;
	s19 =	sor.u32 s20, s19;
	v27 =	vor.u32 v10, v19;
	v19 =	vand.u32 $0xFFFFFF00, v24;
	v24 =	vadd.s32 s26, v6;
	[tilespmem:s18+$0x12100] =	vst v16  }
0xa4: {  	v21 =	vand.u32 $0xFFFFFF00, v21;
	v25 =	vadd.s32 s19, v1;
	s1 =	sand.u32 $0x300, s23;
	v24 =	vand.u32 $0xFFFFFF80, v24;
	v20 =	vld.idx.msk [tilespmem:v20+s10+$0x0], $0xffff  }
0xa5: {  	s30 =	sor.u32 s1, s20;
	v24 =	vor.u32 v4, v24;
	v16 =	vor.u32 v11, v19;
	v19 =	vadd.s32 s0, v15  }
0xa6: {  	v25 =	vand.u32 $0xFFFFFF80, v25;
	v26 =	vand.u32 $0xFFFFFF00, v19;
	v19 =	vadd.s32 s30, v1  }
0xa7: {  	v59 =	vadd.s32 s19, v7;
	v25 =	vor.u32 v0, v25;
	[tilespmem:s18+$0x12080] =	vst v17;
	v19 =	vand.u32 $0xFFFFFF00, v19  }
0xa8: {  	v47 =	vadd.s32 s19, v9;
	v50 =	vld.idx.msk [tilespmem:v18+s10+$0x0], $0xffff;
	v28 =	vor.u32 v0, v19;
	v19 =	vadd.s32 s30, v3  }
0xa9: {  	v37 =	vand.u32 $0xFFFFFF80, v59;
	v29 =	vadd.s32 s30, v6;
	v19 =	vand.u32 $0xFFFFFF00, v19;
	[tilespmem:s18+$0x12110] =	vst v20  }
0xaa: {  	v31 =	vor.u32 v2, v19;
	v19 =	vand.u32 $0xFFFFFF00, v29;
	v29 =	vand.u32 $0xFFFFFF80, v30;
	v24 =	vld.idx.msk [tilespmem:v24+s10+$0x0], $0xffff  }
0xab: {  	s31 =	simm.s32 $0x200;
	s22 =	simm.s32 $0x280;
	v21 =	vor.u32 v8, v21;
	v60 =	vor.u32 v5, v37;
	s23 =	simm.s32 $0x800;
	v29 =	vor.u32 v5, v29  }
0xac: {  	s25 =	sand.u32 $0x380, s22;
	s24 =	sand.u32 $0x7000, s23;
	s1 =	sand.u32 $0x300, s31;
	v48 =	vadd.s32 s30, v9;
	v25 =	vld.idx.msk [tilespmem:v25+s10+$0x0], $0xffff;
	v30 =	vor.u32 v4, v19;
	v19 =	vadd.s32 s19, v3  }
0xad: {  	s21 =	sor.u32 s24, s25;
	v52 =	vadd.s32 s30, v15;
	s24 =	sor.u32 s1, s24;
	v32 =	vand.u32 $0xFFFFFF00, v48;
	v19 =	vand.u32 $0xFFFFFF80, v19;
	[tilespmem:s18+$0x12090] =	vst v50  }
0xae: {  	v53 =	vadd.s32 s24, v1;
	v17 =	vadd.s32 s30, v13;
	v49 =	vor.u32 v2, v19;
	v22 =	vld.idx.msk [tilespmem:v22+s10+$0x0], $0xffff  }
0xaf: {  	v57 =	vadd.s32 s24, v3;
	v18 =	vadd.s32 s30, v14;
	v17 =	vand.u32 $0xFFFFFF00, v17;
	[tilespmem:s18+$0x12120] =	vst v24  }
0xb0: {  	s20 =	simm.s32 $0x100;
	v19 =	vor.u32 v10, v17;
	v17 =	vand.u32 $0xFFFFFF00, v18;
	v18 =	vand.u32 $0xFFFFFF80, v51;
	v29 =	vld.idx.msk [tilespmem:v29+s10+$0x0], $0xffff  }
0xb1: {  	[tilespmem:s20+$0x12100] =	vst v25;
	v25 =	vadd.s32 s21, v1;
	v35 =	vor.u32 v8, v18;
	v18 =	vor.u32 v12, v26;
	v26 =	vld.idx.msk [tilespmem:v28+s10+$0x0], $0xffff  }
0xb2: {  	v58 =	vadd.s32 s24, v6;
	v25 =	vand.u32 $0xFFFFFF80, v25;
	v24 =	vadd.s32 s19, v6  }
0xb3: {  	v61 =	vadd.s32 s24, v9;
	v25 =	vor.u32 v0, v25;
	v24 =	vand.u32 $0xFFFFFF80, v24;
	v54 =	vld.idx.msk [tilespmem:v49+s10+$0x0], $0xffff;
	[tilespmem:s18+$0x120A0] =	vst v22  }
0xb4: {  	v45 =	vadd.s32 s24, v13;
	v46 =	vadd.s32 s24, v14;
	v24 =	vor.u32 v4, v24;
	v62 =	vld.idx.msk [tilespmem:v23+s10+$0x0], $0xffff  }
0xb5: {  	v41 =	vadd.s32 s21, v9;
	v55 =	vand.u32 $0xFFFFFF00, v53;
	v20 =	vadd.s32 s30, v7;
	[tilespmem:s18+$0x12130] =	vst v29  }
0xb6: {  	v33 =	vor.u32 v0, v55;
	v55 =	vadd.s32 s26, v15;
	v20 =	vand.u32 $0xFFFFFF00, v20;
	[tilespmem:s20+$0x12080] =	vst v26;
	v35 =	vld.idx.msk [tilespmem:v35+s10+$0x0], $0xffff  }
0xb7: {  	v37 =	vand.u32 $0xFFFFFF80, v55;
	v50 =	vadd.s32 s21, v6;
	v34 =	vor.u32 v5, v20;
	v31 =	vld.idx.msk [tilespmem:v31+s10+$0x0], $0xffff  }
0xb8: {  	v20 =	vor.u32 v8, v32;
	v17 =	vor.u32 v11, v17;
	v44 =	vld.idx.msk [tilespmem:v25+s10+$0x0], $0xffff;
	v26 =	vand.u32 $0xFFFFFF00, v58;
	[tilespmem:s20+$0x12110] =	vst v54  }
0xb9: {  	v40 =	vor.u32 v4, v26;
	v26 =	vadd.s32 s21, v3;
	v22 =	vld.idx.msk [tilespmem:v24+s10+$0x0], $0xffff;
	v24 =	vadd.s32 s24, v7;
	[tilespmem:s18+$0x120B0] =	vst v62  }
0xba: {  	v26 =	vand.u32 $0xFFFFFF80, v26;
	v23 =	vand.u32 $0xFFFFFF00, v24;
	v24 =	vand.u32 $0xFFFFFF00, v61;
	v51 =	vld.idx.msk [tilespmem:v21+s10+$0x0], $0xffff  }
0xbb: {  	s25 =	simm.s32 $0xC00;
	s30 =	simm.s32 $0x380;
	v28 =	vand.u32 $0xFFFFFF00, v52;
	v63 =	vor.u32 v2, v26;
	v26 =	vor.u32 v8, v24;
	v24 =	vld.idx.msk [tilespmem:v33+s10+$0x0], $0xffff;
	[tilespmem:s18+$0x12140] =	vst v35  }
0xbc: {  	s22 =	simm.s32 $0x200;
	s28 =	sand.u32 $0x7000, s25;
	s0 =	sand.u32 $0x380, s30;
	v29 =	vand.u32 $0xFFFFFF00, v57;
	[tilespmem:s20+$0x12090] =	vst v31;
	v25 =	vor.u32 v5, v23;
	v23 =	vadd.s32 s26, v14;
	v31 =	vld.idx.msk [tilespmem:v36+s10+$0x0], $0xffff  }
0xbd: {  	s23 =	sor.u32 s28, s0;
	v52 =	vadd.s32 s24, v15;
	[tilespmem:s22+$0x12100] =	vst v44;
	v29 =	vor.u32 v2, v29;
	v23 =	vand.u32 $0xFFFFFF80, v23  }
0xbe: {  	v53 =	vadd.s32 s23, v1;
	v49 =	vand.u32 $0xFFFFFF80, v47;
	v30 =	vld.idx.msk [tilespmem:v30+s10+$0x0], $0xffff;
	v48 =	vor.u32 v11, v23;
	[tilespmem:s20+$0x12120] =	vst v22  }
0xbf: {  	s31 =	simm.s32 $0x300;
	v57 =	vor.u32 v12, v37;
	v21 =	vor.u32 v12, v28;
	v33 =	vand.u32 $0xFFFFFF00, v45;
	v32 =	vld.idx.msk [tilespmem:v60+s10+$0x0], $0xffff;
	[tilespmem:s18+$0x120C0] =	vst v51  }
0xc0: {  	s1 =	sand.u32 $0x300, s31;
	v28 =	vld.idx.msk [tilespmem:v63+s10+$0x0], $0xffff;
	v23 =	vor.u32 v10, v33;
	v33 =	vor.u32 v8, v49;
	v35 =	vand.u32 $0xFFFFFF80, v50;
	[tilespmem:s22+$0x12080] =	vst v24  }
0xc1: {  	s24 =	sor.u32 s1, s28;
	v62 =	vadd.s32 s19, v14;
	v35 =	vor.u32 v4, v35;
	v60 =	vld.idx.msk [tilespmem:v27+s10+$0x0], $0xffff;
	[tilespmem:s18+$0x12150] =	vst v31;
	v31 =	vand.u32 $0xFFFFFF80, v53  }
0xc2: {  	v58 =	vadd.s32 s24, v3;
	v54 =	vld.idx.msk [tilespmem:v29+s10+$0x0], $0xffff;
	v29 =	vadd.s32 s24, v1;
	v31 =	vor.u32 v0, v31  }
0xc3: {  	v59 =	vadd.s32 s24, v6;
	v63 =	vadd.s32 s24, v13;
	[tilespmem:s20+$0x120A0] =	vst v30;
	v29 =	vand.u32 $0xFFFFFF00, v29;
	v30 =	vld.idx.msk [tilespmem:v48+s10+$0x0], $0xffff  }
0xc4: {  	v22 =	vand.u32 $0xFFFFFF00, v46;
	v34 =	vld.idx.msk [tilespmem:v34+s10+$0x0], $0xffff;
	v56 =	vor.u32 v0, v29;
	v29 =	vadd.s32 s19, v13;
	[tilespmem:s20+$0x12130] =	vst v32  }
0xc5: {  	v22 =	vor.u32 v11, v22;
	[tilespmem:s22+$0x12110] =	vst v28;
	v28 =	vadd.s32 s21, v7;
	v29 =	vand.u32 $0xFFFFFF80, v29;
	v33 =	vld.idx.msk [tilespmem:v33+s10+$0x0], $0xffff  }
0xc6: {  	v24 =	vand.u32 $0xFFFFFF00, v52;
	v28 =	vand.u32 $0xFFFFFF80, v28;
	v35 =	vld.idx.msk [tilespmem:v35+s10+$0x0], $0xffff;
	v61 =	vor.u32 v10, v29;
	[tilespmem:s18+$0x120D0] =	vst v60  }
0xc7: {  	v42 =	vor.u32 v5, v28;
	v28 =	vadd.s32 s24, v7;
	[tilespmem:s22+$0x12090] =	vst v54;
	v37 =	vld.idx.msk [tilespmem:v31+s10+$0x0], $0xffff;
	v31 =	vadd.s32 s23, v3  }
0xc8: {  	v27 =	vand.u32 $0xFFFFFF00, v58;
	v28 =	vand.u32 $0xFFFFFF00, v28;
	v36 =	vld.idx.msk [tilespmem:v40+s10+$0x0], $0xffff;
	[tilespmem:s18+$0x12160] =	vst v30;
	v31 =	vand.u32 $0xFFFFFF80, v31  }
0xc9: {  	v29 =	vor.u32 v2, v27;
	v27 =	vand.u32 $0xFFFFFF00, v59;
	[tilespmem:s20+$0x120B0] =	vst v34;
	v32 =	vld.idx.msk [tilespmem:v57+s10+$0x0], $0xffff;
	v39 =	vor.u32 v2, v31  }
0xca: {  	v27 =	vor.u32 v4, v27;
	v40 =	vand.u32 $0xFFFFFF00, v63;
	v38 =	vld.idx.msk [tilespmem:v56+s10+$0x0], $0xffff;
	v30 =	vadd.s32 s24, v9;
	[tilespmem:s20+$0x12140] =	vst v33  }
0xcb: {  	s17 =	sshll.u32 s17, $0xA;
	[tilespmem:s22+$0x12120] =	vst v35;
	v35 =	vadd.s32 s24, v14;
	v33 =	vand.u32 $0xFFFFFF80, v62;
	v43 =	vand.u32 $0xFFFFFF00, v30;
	v31 =	vld.idx.msk [tilespmem:v61+s10+$0x0], $0xffff  }
0xcc: {  	s29 =	simm.s32 $0x400;
	s28 =	simm.s32 $0x6;
	s26 =	simm.s32 $0x300;
	v34 =	vld.idx.msk [tilespmem:v42+s10+$0x0], $0xffff;
	v30 =	vor.u32 v5, v28;
	v33 =	vor.u32 v11, v33;
	v28 =	vor.u32 v8, v43  }
.LBB2_5:
0xcd: {  	s0 =	sadd.s32 $0x80, s29;
	s28 =	sadd.s32 $0x2, s28;
	v40 =	vor.u32 v10, v40;
	v35 =	vand.u32 $0xFFFFFF00, v35;
	[tilespmem:s26+$0x12100] =	vst v37;
	s25 =	sadd.s32 $0x400, s25;
	v37 =	vand.u32 $0xFFFFFF80, v41;
	v41 =	vld.idx.msk [tilespmem:v20+s10+$0x0], $0xffff;
	v20 =	vmovc v26  }
0xce: {  	s1 =	sand.u32 $0x7000, s25;
	s0 =	sand.u32 $0x380, s0;
	p0 =	slt.u32 s28, $0x3E;
	v26 =	vor.u32 v11, v35;
	v35 =	vld.idx.msk [tilespmem:v39+s10+$0x0], $0xffff;
	v39 =	vadd.s32 s23, v6;
	v37 =	vor.u32 v8, v37;
	[tilespmem:s18+$0x12170] =	vst v32  }
0xcf: {  	s31 =	sand.u32 $0x300, s29;
	s30 =	smov.u32 s20;
	v32 =	vadd.s32 s24, v15;
	s0 =	sor.u32 s1, s0;
	[tilespmem:s26+$0x12080] =	vst v38;
	v38 =	vand.u32 $0xFFFFFF80, v39;
	v39 =	vor.u32 v12, v24;
	v42 =	vld.idx.msk [tilespmem:v16+s10+$0x0], $0xffff;
	v16 =	vmovc v17  }
0xd0: {  	s20 =	smov.u32 s22;
	s22 =	smov.u32 s26;
	s24 =	sor.u32 s31, s1;
	v24 =	vand.u32 $0xFFFFFF00, v32;
	v17 =	vmovc v22;
	v43 =	vadd.s32 s0, v1;
	v44 =	vld.idx.msk [tilespmem:v29+s10+$0x0], $0xffff;
	v29 =	vor.u32 v4, v38;
	[tilespmem:s30+$0x12150] =	vst v31  }
0xd1: {  	v22 =	vmovc v26;
	v31 =	vadd.s32 s24, v1;
	v32 =	vand.u32 $0xFFFFFF80, v43;
	[tilespmem:s20+$0x120A0] =	vst v36;
	v33 =	vld.idx.msk [tilespmem:v33+s10+$0x0], $0xffff;
	v36 =	vadd.s32 s19, v15;
	v26 =	vmovc v28;
	s19 =	smov.u32 s21;
	s21 =	smov.u32 s23;
	s23 =	smov.u32 s0  }
0xd2: {  	v28 =	vand.u32 $0xFFFFFF00, v31;
	v31 =	vor.u32 v0, v32;
	v32 =	vld.idx.msk [tilespmem:v25+s10+$0x0], $0xffff;
	[tilespmem:s20+$0x12130] =	vst v34;
	v34 =	vand.u32 $0xFFFFFF80, v36;
	v25 =	vmovc v30  }
0xd3: {  	v28 =	vor.u32 v0, v28;
	v36 =	vadd.s32 s19, v13;
	v30 =	vld.idx.msk [tilespmem:v37+s10+$0x0], $0xffff;
	[tilespmem:s30+$0x120C0] =	vst v41;
	v34 =	vor.u32 v12, v34  }
0xd4: {  	v38 =	vadd.s32 s24, v6;
	v37 =	vadd.s32 s24, v3;
	[tilespmem:s22+$0x12110] =	vst v35;
	v35 =	vand.u32 $0xFFFFFF80, v36;
	v36 =	vld.idx.msk [tilespmem:v19+s10+$0x0], $0xffff;
	v19 =	vmovc v23;
	v23 =	vmovc v40  }
0xd5: {  	v41 =	vadd.s32 s21, v7;
	v37 =	vand.u32 $0xFFFFFF00, v37;
	v40 =	vld.idx.msk [tilespmem:v29+s10+$0x0], $0xffff;
	v35 =	vor.u32 v10, v35;
	[tilespmem:s18+$0x120E0] =	vst v42  }
0xd6: {  	v29 =	vor.u32 v2, v37;
	v37 =	vand.u32 $0xFFFFFF00, v38;
	v38 =	vand.u32 $0xFFFFFF80, v41;
	[tilespmem:s22+$0x12090] =	vst v44;
	v42 =	vld.idx.msk [tilespmem:v18+s10+$0x0], $0xffff;
	v18 =	vmovc v21  }
0xd7: {  	v45 =	vadd.s32 s23, v3;
	v41 =	vor.u32 v4, v37;
	v43 =	vor.u32 v5, v38;
	v37 =	vld.idx.msk [tilespmem:v31+s10+$0x0], $0xffff;
	[tilespmem:s30+$0x12160] =	vst v33  }
.Ltmp1:
0xd8: {  	v44 =	vand.u32 $0xFFFFFF80, v45;
	v21 =	vmovc v39;
	v31 =	vadd.s32 s24, v7;
	v33 =	vadd.s32 s24, v9;
	[tilespmem:s20+$0x120B0] =	vst v32;
	v32 =	vld.idx.msk [tilespmem:v34+s10+$0x0], $0xffff;
	(pc) =	sbr.rel @p0 .LBB2_5-.Ltmp1, $4  }
0xd9: {  	v39 =	vor.u32 v2, v44;
	v38 =	vld.idx.msk [tilespmem:v28+s10+$0x0], $0xffff;
	v28 =	vand.u32 $0xFFFFFF00, v31;
	v31 =	vand.u32 $0xFFFFFF00, v33;
	[tilespmem:s20+$0x12140] =	vst v30  }
0xda: {  	v33 =	vadd.s32 s19, v14;
	v30 =	vor.u32 v5, v28;
	v28 =	vor.u32 v8, v31;
	v31 =	vld.idx.msk [tilespmem:v35+s10+$0x0], $0xffff;
	[tilespmem:s30+$0x120D0] =	vst v36  }
0xdb: {  	v34 =	vadd.s32 s24, v13;
	v35 =	vadd.s32 s24, v14;
	v33 =	vand.u32 $0xFFFFFF80, v33;
	v36 =	vld.idx.msk [tilespmem:v27+s10+$0x0], $0xffff;
	[tilespmem:s22+$0x12120] =	vst v40;
	v27 =	vmovc v41  }
0xdc: {  	s29 =	sadd.s32 $0x100, s29;
	s26 =	sshra.s32 s25, $0x2;
	v40 =	vand.u32 $0xFFFFFF00, v34;
	v41 =	vadd.s32 s21, v9;
	v33 =	vor.u32 v11, v33;
	v34 =	vld.idx.msk [tilespmem:v43+s10+$0x0], $0xffff;
	[tilespmem:s18+$0x120F0] =	vst v42;
	s18 =	smov.u32 s30  }
0xdd: {  	_ =	sdelay $0x2  }
0xde: {  	[tilespmem:s26+$0x12100] =	vst v37;
	v62 =	vadd.s32 s23, v6  }
0xdf: {  	v39 =	vld.idx.msk [tilespmem:v39+s10+$0x0], $0xffff;
	[tilespmem:s26+$0x12080] =	vst v38;
	v37 =	vand.u32 $0xFFFFFF80, v62  }
0xe0: {  	v29 =	vld.idx.msk [tilespmem:v29+s10+$0x0], $0xffff;
	v37 =	vor.u32 v4, v37;
	_ =	sdelay $0x3  }
0xe1: {  	v63 =	vadd.s32 s23, v7;
	[tilespmem:s26+$0x12110] =	vst v39  }
0xe2: {  	v39 =	vand.u32 $0xFFFFFF80, v63;
	v37 =	vld.idx.msk [tilespmem:v37+s10+$0x0], $0xffff;
	[tilespmem:s26+$0x12090] =	vst v29  }
0xe3: {  	v29 =	vor.u32 v5, v39;
	v27 =	vld.idx.msk [tilespmem:v27+s10+$0x0], $0xffff;
	_ =	sdelay $0x2  }
0xe4: {  	v42 =	vand.u32 $0xFFFFFF80, v41;
	[tilespmem:s22+$0x120A0] =	vst v36  }
0xe5: {  	v44 =	vadd.s32 s23, v9;
	v43 =	vor.u32 v8, v42;
	v25 =	vld.idx.msk [tilespmem:v25+s10+$0x0], $0xffff;
	[tilespmem:s26+$0x12120] =	vst v37  }
0xe6: {  	v37 =	vand.u32 $0xFFFFFF80, v44;
	v29 =	vld.idx.msk [tilespmem:v29+s10+$0x0], $0xffff;
	[tilespmem:s26+$0x120A0] =	vst v27  }
0xe7: {  	[tilespmem:s18+$0x12170] =	vst v32;
	v45 =	vor.u32 v8, v37;
	v30 =	vld.idx.msk [tilespmem:v30+s10+$0x0], $0xffff  }
0xe8: {  	v20 =	vld.idx.msk [tilespmem:v20+s10+$0x0], $0xffff;
	[tilespmem:s20+$0x12150] =	vst v31  }
0xe9: {  	v16 =	vld.idx.msk [tilespmem:v16+s10+$0x0], $0xffff;
	v46 =	vadd.s32 s21, v13;
	[tilespmem:s22+$0x12130] =	vst v34  }
0xea: {  	v31 =	vand.u32 $0xFFFFFF80, v46;
	v47 =	vld.idx.msk [tilespmem:v43+s10+$0x0], $0xffff;
	[tilespmem:s22+$0x120B0] =	vst v25  }
0xeb: {  	v49 =	vadd.s32 s23, v13;
	v48 =	vor.u32 v10, v31;
	v26 =	vld.idx.msk [tilespmem:v26+s10+$0x0], $0xffff;
	[tilespmem:s26+$0x12130] =	vst v29  }
0xec: {  	v29 =	vand.u32 $0xFFFFFF80, v49;
	v27 =	vld.idx.msk [tilespmem:v45+s10+$0x0], $0xffff;
	[tilespmem:s26+$0x120B0] =	vst v30  }
0xed: {  	[tilespmem:s20+$0x120C0] =	vst v20;
	v50 =	vor.u32 v10, v29;
	v28 =	vld.idx.msk [tilespmem:v28+s10+$0x0], $0xffff  }
0xee: {  	v51 =	vor.u32 v10, v40;
	v52 =	vld.idx.msk [tilespmem:v33+s10+$0x0], $0xffff;
	[tilespmem:s18+$0x120E0] =	vst v16  }
0xef: {  	v53 =	vadd.s32 s21, v14;
	v16 =	vld.idx.msk [tilespmem:v19+s10+$0x0], $0xffff;
	[tilespmem:s22+$0x12140] =	vst v47  }
0xf0: {  	v19 =	vand.u32 $0xFFFFFF80, v53;
	v25 =	vld.idx.msk [tilespmem:v48+s10+$0x0], $0xffff;
	[tilespmem:s22+$0x120C0] =	vst v26  }
0xf1: {  	v54 =	vadd.s32 s23, v14;
	v19 =	vor.u32 v11, v19;
	v23 =	vld.idx.msk [tilespmem:v23+s10+$0x0], $0xffff;
	[tilespmem:s26+$0x12140] =	vst v27  }
0xf2: {  	v26 =	vand.u32 $0xFFFFFF80, v54;
	v20 =	vld.idx.msk [tilespmem:v50+s10+$0x0], $0xffff;
	[tilespmem:s26+$0x120C0] =	vst v28  }
0xf3: {  	v55 =	vand.u32 $0xFFFFFF00, v35;
	v56 =	vadd.s32 s19, v15;
	[tilespmem:s20+$0x12160] =	vst v52;
	v26 =	vor.u32 v11, v26;
	v29 =	vld.idx.msk [tilespmem:v51+s10+$0x0], $0xffff  }
0xf4: {  	v18 =	vld.idx.msk [tilespmem:v18+s10+$0x0], $0xffff;
	[tilespmem:s20+$0x120D0] =	vst v16;
	v27 =	vor.u32 v11, v55;
	v28 =	vand.u32 $0xFFFFFF80, v56  }
0xf5: {  	v57 =	vadd.s32 s21, v15;
	v17 =	vld.idx.msk [tilespmem:v17+s10+$0x0], $0xffff;
	[tilespmem:s22+$0x12150] =	vst v25;
	v16 =	vor.u32 v12, v28  }
0xf6: {  	v25 =	vand.u32 $0xFFFFFF80, v57;
	v19 =	vld.idx.msk [tilespmem:v19+s10+$0x0], $0xffff;
	[tilespmem:s22+$0x120D0] =	vst v23  }
0xf7: {  	v59 =	vadd.s32 s23, v15;
	v58 =	vor.u32 v12, v25;
	v22 =	vld.idx.msk [tilespmem:v22+s10+$0x0], $0xffff;
	[tilespmem:s26+$0x12150] =	vst v20  }
0xf8: {  	v60 =	vadd.s32 s24, v15;
	v24 =	vor.u32 v12, v24;
	v20 =	vand.u32 $0xFFFFFF80, v59;
	v26 =	vld.idx.msk [tilespmem:v26+s10+$0x0], $0xffff;
	[tilespmem:s26+$0x120D0] =	vst v29  }
0xf9: {  	[tilespmem:s18+$0x120F0] =	vst v18;
	v25 =	vand.u32 $0xFFFFFF00, v60;
	v61 =	vor.u32 v12, v20;
	v62 =	vld.idx.msk [tilespmem:v27+s10+$0x0], $0xffff  }
0xfa: {  	[tilespmem:s20+$0x120E0] =	vst v17;
	v25 =	vor.u32 v12, v25;
	v16 =	vld.idx.msk [tilespmem:v16+s10+$0x0], $0xffff  }
0xfb: {  	v17 =	vld.idx.msk [tilespmem:v21+s10+$0x0], $0xffff;
	[tilespmem:s22+$0x12160] =	vst v19  }
0xfc: {  	v19 =	vld.idx.msk [tilespmem:v58+s10+$0x0], $0xffff;
	[tilespmem:s22+$0x120E0] =	vst v22  }
0xfd: {  	v63 =	vld.idx.msk [tilespmem:v24+s10+$0x0], $0xffff;
	[tilespmem:s26+$0x12160] =	vst v26  }
0xfe: {  	v18 =	vld.idx.msk [tilespmem:v61+s10+$0x0], $0xffff;
	[tilespmem:s26+$0x120E0] =	vst v62  }
0xff: {  	s16 =	sadd.s32 $0x1, s16;
	[tilespmem:s20+$0x12170] =	vst v16;
	v16 =	vld.idx.msk [tilespmem:v25+s10+$0x0], $0xffff  }
0x100: {  	p0 =	sne.s32 s16, $0x4;
	[tilespmem:s20+$0x120F0] =	vst v17  }
.Ltmp2:
0x101: {  	[tilespmem:s22+$0x12170] =	vst v19;
	(pc) =	sbr.rel @p0 .LBB2_2-.Ltmp2, $4  }
0x102: {  	[tilespmem:s22+$0x120F0] =	vst v63  }
0x103: {  	[tilespmem:s26+$0x12170] =	vst v18  }
0x104: {  	s0 =	sadd.s32 s17, s5;
	[tilespmem:s26+$0x120F0] =	vst v16  }
0x105: {  	[hbm4b:s0+s3] =	stream.linear.scatter [tilespmem:s13], [sflag:$0x2], $0x2000, $0x38;
	[tilespmem:$0x14080] =	vst v63  }
0x106: {  	s15 =	sadd.s32 $0x1, s15  }
0x107: {  	_ =	swait.ge [sflag:s14], $0x2000;
	p0 =	sne.s32 s15, s7  }
.Ltmp3:
0x108: {  	[sflag:s14] =	ssyncset.done $0x0;
	(pc) =	sbr.rel @p0 .LBB2_1-.Ltmp3, $4  }
0x109: {  	[sflag:s14] =	ssyncadd.s32 $0xFFFFE000  }
0x10a: {  	_ =	swait.ge [sflag:s14], $0x2000  }
0x10b: {  	[sflag:s14] =	ssyncset.done $0x0  }
0x10c: {  	[sflag:s14] =	ssyncadd.s32 $0xFFFFE000  }
0x10d: {  	_ =	sfence.sel $0x180000  }
0x10e: {  	[bflag:$0x0] =	sbarrier.arrive $0xFFFF  }
0x10f: {  	_ =	strace $0x90000047  }
0x110: {  	s0 =	stileid.u32;
	[bflag:$0x2] =	sbarrier.arrive $0xFFFF  }
0x111: {  	p0 =	sne.s32 s0, $0x0;
	s0 =	rddreg [dreg:$0x3]  }
0x112: {  	s0 =	sadd.s32 @!p0 $0x100000, s0  }
0x113: {  	[sflag:s0] =	ssyncadd.tile.s32 @!p0 $0x1;
	_ =	shalt  }
.Lfunc_end2:
_tile_overlayer_lowered:
.L_overlay_start_2:
0x114: {  	(tag) =	ssettag $0x2  }
0x115: {  	s0 =	rddreg [dreg:$0x0];
	s2 =	stileid.u32  }
0x116: {  	s1 =	rddreg [dreg:$0x1];
	p0 =	sne.s32 s2, $0x0  }
0x117: {  	s3 =	rddreg [dreg:$0x2];
	[bflag:$0x3] =	sbarrier.arrive $0xFFFF;
	s2 =	simm.s32 @!p0 $0x1C03  }
0x118: {  	[timem:s3], [sflag:s2] =	dma.local @!p0 [hbm:s0], s1  }
0x119: {  	s0 =	simm.s32 @!p0 $0x3  }
0x11a: {  	_ =	swait.ge @!p0 [sflag:s0], s1  }
0x11b: {  	s1 =	ssub.s32 @!p0 $0x0, s1;
	[sflag:s0] =	ssyncset.done @!p0 $0x0  }
0x11c: {  	[sflag:s0] =	ssyncadd.s32 @!p0 s1  }
0x11d: {  	[bflag:$0x3] =	sbarrier.arrive $0xFFFF  }
0x11e: {  	_ =	shalt  }

</sc_bundles>
